<compile_context>
chip_gen: v7x
topology: tpu7x:2x2x1
jax: 0.10.2.dev20260603
libtpu: 0.0.44.dev20260713+nightly
codegen_flags: <defaults>
</compile_context>

<pallas_src>
import functools

import jax
import jax.numpy as jnp
from jax import lax
from jax.experimental import pallas as pl
from jax.experimental.pallas import tpu as pltpu
from jax.experimental.pallas import tpu_sc as plsc

N_NODES = 10000
N_EDGES = 640000
D_FEAT = 128
NC = 2
NS = 16
L = 16
NW = NC * NS
NPAD = 10240
EPW = N_EDGES // NW
CH = 4000
NCH = EPW // CH
U = 5

_mesh = plsc.VectorSubcoreMesh(
    core_axis_name="c", subcore_axis_name="s", num_cores=NC, num_subcores=NS
)


@functools.partial(
    pl.kernel,
    out_type=(
        jax.ShapeDtypeStruct((NW, NPAD), jnp.float32),
        jax.ShapeDtypeStruct((NW, NPAD), jnp.float32),
    ),
    mesh=_mesh,
    compiler_params=pltpu.CompilerParams(needs_layout_passes=False),
    scratch_types=[
        pltpu.VMEM((NPAD,), jnp.float32),
        pltpu.VMEM((NPAD,), jnp.float32),
        pltpu.VMEM((NPAD,), jnp.float32),
        pltpu.VMEM((2 * CH,), jnp.int32),
        pltpu.VMEM((2 * CH,), jnp.int32),
        pltpu.VMEM((2 * CH,), jnp.float32),
        pltpu.VMEM((2 * CH,), jnp.float32),
        pltpu.VMEM((2 * CH,), jnp.float32),
        pltpu.SemaphoreType.DMA,
        pltpu.SemaphoreType.DMA,
    ],
)
def _sc_flows(v2_hbm, src_hbm, dst_hbm, prob_hbm, g_hbm, b_hbm,
              outp_hbm, outq_hbm,
              table, accp, accq, srcv, dstv, probv, gv, bv,
              sem0, sem1):
    cid = lax.axis_index("c")
    sid = lax.axis_index("s")
    wid = sid * NC + cid
    ebase = wid * EPW

    def issue(c, half, sem):
        off = ebase + c * CH
        hb = half * CH
        pltpu.async_copy(src_hbm.at[pl.ds(off, CH)],
                         srcv.at[pl.ds(hb, CH)], sem)
        pltpu.async_copy(dst_hbm.at[pl.ds(off, CH)],
                         dstv.at[pl.ds(hb, CH)], sem)
        pltpu.async_copy(prob_hbm.at[pl.ds(off, CH)],
                         probv.at[pl.ds(hb, CH)], sem)
        pltpu.async_copy(g_hbm.at[pl.ds(off, CH)],
                         gv.at[pl.ds(hb, CH)], sem)
        pltpu.async_copy(b_hbm.at[pl.ds(off, CH)],
                         bv.at[pl.ds(hb, CH)], sem)

    def drain(c, half, sem):
        off = ebase + c * CH
        hb = half * CH
        pltpu.make_async_copy(src_hbm.at[pl.ds(off, CH)],
                              srcv.at[pl.ds(hb, CH)], sem).wait()
        pltpu.make_async_copy(dst_hbm.at[pl.ds(off, CH)],
                              dstv.at[pl.ds(hb, CH)], sem).wait()
        pltpu.make_async_copy(prob_hbm.at[pl.ds(off, CH)],
                              probv.at[pl.ds(hb, CH)], sem).wait()
        pltpu.make_async_copy(g_hbm.at[pl.ds(off, CH)],
                              gv.at[pl.ds(hb, CH)], sem).wait()
        pltpu.make_async_copy(b_hbm.at[pl.ds(off, CH)],
                              bv.at[pl.ds(hb, CH)], sem).wait()

    issue(0, 0, sem0)

    pltpu.sync_copy(v2_hbm, table)
    zeros = jnp.zeros((L,), jnp.float32)

    def fill(i, carry):
        accp[pl.ds(i * L, L)] = zeros
        accq[pl.ds(i * L, L)] = zeros
        return carry

    lax.fori_loop(0, NPAD // L, fill, 0)



    def chunk_body(j, carry):
        p = lax.rem(j, 2)

        @pl.when(j + 1 < NCH)
        def _prefetch():
            lax.cond(p == 0,
                     lambda: issue(j + 1, 1, sem1),
                     lambda: issue(j + 1, 0, sem0))

        lax.cond(p == 0,
                 lambda: drain(j, 0, sem0),
                 lambda: drain(j, 1, sem1))

        hb = p * CH

        def vec_body(i, c2):
            for u in range(U):
                o = hb + (i * U + u) * L
                s = srcv[pl.ds(o, L)]
                d = dstv[pl.ds(o, L)]
                v2 = plsc.load_gather(table, [s])
                vp = v2 * probv[pl.ds(o, L)]
                pe = vp / (gv[pl.ds(o, L)] + 1e-6)
                qe = vp / (bv[pl.ds(o, L)] + 1e-6)
                plsc.addupdate_scatter(accp, [s], pe)
                plsc.addupdate_scatter(accq, [s], qe)
                m = s != d
                plsc.addupdate_scatter(accp, [d], pe, mask=m)
                plsc.addupdate_scatter(accq, [d], qe, mask=m)
            return c2

        lax.fori_loop(0, CH // (L * U), vec_body, 0)
        return carry

    lax.fori_loop(0, NCH, chunk_body, 0)

    pltpu.sync_copy(accp, outp_hbm.at[wid])
    pltpu.sync_copy(accq, outq_hbm.at[wid])


def _prep_body(nf_ref, v2_ref, pl_ref, ql_ref):
    nf = nf_ref[...]
    d_iota = lax.broadcasted_iota(jnp.int32, (4, D_FEAT), 1)
    k_iota = lax.broadcasted_iota(jnp.int32, (4, D_FEAT), 0)
    sel = jnp.where(d_iota == k_iota, 1.0, 0.0).astype(jnp.float32)
    rows4 = lax.dot_general(
        sel, nf, (((1,), (1,)), ((), ())),
        precision=lax.Precision.HIGHEST,
        preferred_element_type=jnp.float32)
    v2_row = rows4[0:1] * rows4[0:1] + rows4[1:2] * rows4[1:2]
    zpad = jnp.zeros((NPAD,), jnp.float32)
    v2_ref[...] = zpad
    pl_ref[...] = zpad
    ql_ref[...] = zpad
    v2_ref[pl.ds(0, N_NODES)] = v2_row.reshape(N_NODES)
    pl_ref[pl.ds(0, N_NODES)] = rows4[2:3].reshape(N_NODES)
    ql_ref[pl.ds(0, N_NODES)] = rows4[3:4].reshape(N_NODES)


_tc_prep = pl.pallas_call(
    _prep_body,
    out_shape=(
        jax.ShapeDtypeStruct((NPAD,), jnp.float32),
        jax.ShapeDtypeStruct((NPAD,), jnp.float32),
        jax.ShapeDtypeStruct((NPAD,), jnp.float32),
    ),
)


def _tc_loss_body(p_ref, q_ref, v2_ref, pl_ref, ql_ref, o_ref):
    pf = jnp.sum(p_ref[...], axis=0)
    qf = jnp.sum(q_ref[...], axis=0)
    v = jnp.sqrt(v2_ref[...])
    pim = (pl_ref[...] + pf) ** 2
    qim = (ql_ref[...] + qf) ** 2
    lo = jnp.maximum(0.95 - v, 0.0)
    hi = jnp.maximum(v - 1.05, 0.0)
    valid = lax.iota(jnp.int32, NPAD) < N_NODES
    tot = jnp.sum(jnp.where(valid, pim + qim + lo * lo + hi * hi, 0.0))
    o_ref[0, 0] = tot / N_NODES


_tc_loss = pl.pallas_call(
    _tc_loss_body,
    out_shape=jax.ShapeDtypeStruct((1, 1), jnp.float32),
    out_specs=pl.BlockSpec(memory_space=pltpu.SMEM),
)


def kernel(node_features, edge_index, edge_probs, edge_params):
    ei32 = edge_index.astype(jnp.int32)
    src = ei32[0]
    dst = ei32[1]
    g = edge_params[:, 0]
    b = edge_params[:, 1]

    v2, plp, qlp = _tc_prep(node_features)
    p_parts, q_parts = _sc_flows(v2, src, dst, edge_probs, g, b)

    out = _tc_loss(p_parts, q_parts, v2, plp, qlp)
    return out[0, 0]

# --- scband reference (transcript-rebuilt; emitter-appended) ---
"""Pipeline reference for scband-power-flow-consistency-38010460570139 (READ-ONLY COPY).

The authoritative reference and input builder live on the scoring server;
editing this copy changes nothing except your own understanding.
"""

import jax, jax.numpy as jnp
import numpy as np

N_NODES = 10000
N_EDGES = 640000
D_FEAT = 128


def setup_inputs(seed: int = 0) -> dict:
    key = jax.random.key(seed)
    k1, k2, k3, k4 = jax.random.split(key, 4)
    node_features = jax.random.normal(k1, (N_NODES, D_FEAT), dtype=jnp.float32)
    edge_index = jax.random.randint(k2, (2, N_EDGES), 0, N_NODES, dtype=jnp.int64)
    edge_probs = jax.random.uniform(k3, (N_EDGES,), dtype=jnp.float32)
    edge_params = jax.random.uniform(k4, (N_EDGES, 2), dtype=jnp.float32)
    return {
        "node_features": node_features,
        "edge_index": edge_index,
        "edge_probs": edge_probs,
        "edge_params": edge_params,
    }


def reference(node_features, edge_index, edge_probs, edge_params):
    n_nodes = node_features.shape[0]
    src = edge_index[0]
    dst = edge_index[1]

    # per-edge power flow computed from the SRC endpoint (faithful to torch code)
    v_mag_all = jnp.sqrt(node_features[:, 0] ** 2 + node_features[:, 1] ** 2)
    v_src2 = v_mag_all[src] ** 2
    p_e = v_src2 / (edge_params[:, 0] + 1e-06) * edge_probs
    q_e = v_src2 / (edge_params[:, 1] + 1e-06) * edge_probs

    # each node accumulates flow of every incident edge (src OR dst);
    # self-loop edges contribute exactly once, matching the boolean mask in torch
    is_self = (src == dst)
    p_flow = jnp.zeros((n_nodes,), dtype=node_features.dtype)
    p_flow = p_flow.at[src].add(p_e)
    p_flow = p_flow.at[dst].add(jnp.where(is_self, 0.0, p_e))
    q_flow = jnp.zeros((n_nodes,), dtype=node_features.dtype)
    q_flow = q_flow.at[src].add(q_e)
    q_flow = q_flow.at[dst].add(jnp.where(is_self, 0.0, q_e))

    p_load = node_features[:, 2]
    q_load = node_features[:, 3]
    p_imbalance = (p_load + p_flow) ** 2
    q_imbalance = (q_load + q_flow) ** 2
    power_balance_loss = jnp.mean(p_imbalance + q_imbalance)

    # voltage magnitude constraint
    lower_violations = jax.nn.relu(0.95 - v_mag_all)
    upper_violations = jax.nn.relu(v_mag_all - 1.05)
    voltage_loss = jnp.mean(lower_violations ** 2 + upper_violations ** 2)

    return power_balance_loss + voltage_loss

if __name__ == "__main__":
    import jax
    _d = setup_inputs()
    print(jax.jit(kernel)(*tuple(_d.values())))

</pallas_src>

<mosaic_0001>
#map = affine_map<(d0, d1) -> (0)>
#map1 = affine_map<(d0, d1) -> (0, 0)>
module attributes {stable_mosaic.version = 14 : i64} {
  func.func @_sc_flows(%arg0: i32, %arg1: i32, %arg2: memref<10240xf32, #tpu.memory_space<hbm>>, %arg3: memref<640000xi32, #tpu.memory_space<hbm>>, %arg4: memref<640000xi32, #tpu.memory_space<hbm>>, %arg5: memref<640000xf32, #tpu.memory_space<hbm>>, %arg6: memref<640000xf32, #tpu.memory_space<hbm>>, %arg7: memref<640000xf32, #tpu.memory_space<hbm>>, %arg8: memref<32x10240xf32, #tpu.memory_space<hbm>>, %arg9: memref<32x10240xf32, #tpu.memory_space<hbm>>, %arg10: memref<10240xf32, #tpu.memory_space<vmem>>, %arg11: memref<10240xf32, #tpu.memory_space<vmem>>, %arg12: memref<10240xf32, #tpu.memory_space<vmem>>, %arg13: memref<8000xi32, #tpu.memory_space<vmem>>, %arg14: memref<8000xi32, #tpu.memory_space<vmem>>, %arg15: memref<8000xf32, #tpu.memory_space<vmem>>, %arg16: memref<8000xf32, #tpu.memory_space<vmem>>, %arg17: memref<8000xf32, #tpu.memory_space<vmem>>, %arg18: memref<!tpu.dma_semaphore, #tpu.memory_space<semaphore_mem>>, %arg19: memref<!tpu.dma_semaphore, #tpu.memory_space<semaphore_mem>>) attributes {dimension_semantics = [#tpu.dimension_semantics<core_parallel>, #tpu.dimension_semantics<subcore_parallel>], iteration_bounds = array<i64: 2, 16>, scalar_prefetch = 0 : i64, scratch_operands = 10 : i64, tpu.core_type = #tpu.core_type<sc_vector_subcore>, window_params = [{transform_indices = #map}, {transform_indices = #map}, {transform_indices = #map}, {transform_indices = #map}, {transform_indices = #map}, {transform_indices = #map}, {transform_indices = #map1}, {transform_indices = #map1}]} {
    %mul3A = arith.constant 2 : i32
    %mul3A_0 = arith.muli %arg1, %mul3A : i32
    %add3A = arith.addi %mul3A_0, %arg0 : i32
    %mul3A_1 = arith.constant 20000 : i32
    %mul3A_2 = arith.muli %add3A, %mul3A_1 : i32
    %add3A_3 = arith.constant 0 : i32
    %add3A_4 = arith.addi %mul3A_2, %add3A_3 : i32
    %dma_start3A = arith.constant 0 : i32
    %dma_start3A_5 = tpu.memref_slice %arg13[%dma_start3A] : memref<8000xi32, #tpu.memory_space<vmem>> -> memref<4000xi32, #tpu.memory_space<vmem>>
    %dma_start3A_6 = tpu.memref_slice %arg3[%add3A_4] : memref<640000xi32, #tpu.memory_space<hbm>> -> memref<4000xi32, #tpu.memory_space<hbm>>
    %dma_start3A_7 = arith.constant 0 : i32
    %dma_start3A_8 = tpu.memref_slice %arg13[%dma_start3A_7] : memref<8000xi32, #tpu.memory_space<vmem>> -> memref<4000xi32, #tpu.memory_space<vmem>>
    %dma_start3A_9 = tpu.memref_slice %arg3[%add3A_4] : memref<640000xi32, #tpu.memory_space<hbm>> -> memref<4000xi32, #tpu.memory_space<hbm>>
    tpu.enqueue_dma source(%dma_start3A_9 : memref<4000xi32, #tpu.memory_space<hbm>>) target(%dma_start3A_8 : memref<4000xi32, #tpu.memory_space<vmem>>) target_semaphore(%arg18 : memref<!tpu.dma_semaphore, #tpu.memory_space<semaphore_mem>>)
    %dma_start3A_10 = arith.constant 0 : i32
    %dma_start3A_11 = tpu.memref_slice %arg14[%dma_start3A_10] : memref<8000xi32, #tpu.memory_space<vmem>> -> memref<4000xi32, #tpu.memory_space<vmem>>
    %dma_start3A_12 = tpu.memref_slice %arg4[%add3A_4] : memref<640000xi32, #tpu.memory_space<hbm>> -> memref<4000xi32, #tpu.memory_space<hbm>>
    %dma_start3A_13 = arith.constant 0 : i32
    %dma_start3A_14 = tpu.memref_slice %arg14[%dma_start3A_13] : memref<8000xi32, #tpu.memory_space<vmem>> -> memref<4000xi32, #tpu.memory_space<vmem>>
    %dma_start3A_15 = tpu.memref_slice %arg4[%add3A_4] : memref<640000xi32, #tpu.memory_space<hbm>> -> memref<4000xi32, #tpu.memory_space<hbm>>
    tpu.enqueue_dma source(%dma_start3A_15 : memref<4000xi32, #tpu.memory_space<hbm>>) target(%dma_start3A_14 : memref<4000xi32, #tpu.memory_space<vmem>>) target_semaphore(%arg18 : memref<!tpu.dma_semaphore, #tpu.memory_space<semaphore_mem>>)
    %dma_start3A_16 = arith.constant 0 : i32
    %dma_start3A_17 = tpu.memref_slice %arg15[%dma_start3A_16] : memref<8000xf32, #tpu.memory_space<vmem>> -> memref<4000xf32, #tpu.memory_space<vmem>>
    %dma_start3A_18 = tpu.memref_slice %arg5[%add3A_4] : memref<640000xf32, #tpu.memory_space<hbm>> -> memref<4000xf32, #tpu.memory_space<hbm>>
    %dma_start3A_19 = arith.constant 0 : i32
    %dma_start3A_20 = tpu.memref_slice %arg15[%dma_start3A_19] : memref<8000xf32, #tpu.memory_space<vmem>> -> memref<4000xf32, #tpu.memory_space<vmem>>
    %dma_start3A_21 = tpu.memref_slice %arg5[%add3A_4] : memref<640000xf32, #tpu.memory_space<hbm>> -> memref<4000xf32, #tpu.memory_space<hbm>>
    tpu.enqueue_dma source(%dma_start3A_21 : memref<4000xf32, #tpu.memory_space<hbm>>) target(%dma_start3A_20 : memref<4000xf32, #tpu.memory_space<vmem>>) target_semaphore(%arg18 : memref<!tpu.dma_semaphore, #tpu.memory_space<semaphore_mem>>)
    %dma_start3A_22 = arith.constant 0 : i32
    %dma_start3A_23 = tpu.memref_slice %arg16[%dma_start3A_22] : memref<8000xf32, #tpu.memory_space<vmem>> -> memref<4000xf32, #tpu.memory_space<vmem>>
    %dma_start3A_24 = tpu.memref_slice %arg6[%add3A_4] : memref<640000xf32, #tpu.memory_space<hbm>> -> memref<4000xf32, #tpu.memory_space<hbm>>
    %dma_start3A_25 = arith.constant 0 : i32
    %dma_start3A_26 = tpu.memref_slice %arg16[%dma_start3A_25] : memref<8000xf32, #tpu.memory_space<vmem>> -> memref<4000xf32, #tpu.memory_space<vmem>>
    %dma_start3A_27 = tpu.memref_slice %arg6[%add3A_4] : memref<640000xf32, #tpu.memory_space<hbm>> -> memref<4000xf32, #tpu.memory_space<hbm>>
    tpu.enqueue_dma source(%dma_start3A_27 : memref<4000xf32, #tpu.memory_space<hbm>>) target(%dma_start3A_26 : memref<4000xf32, #tpu.memory_space<vmem>>) target_semaphore(%arg18 : memref<!tpu.dma_semaphore, #tpu.memory_space<semaphore_mem>>)
    %dma_start3A_28 = arith.constant 0 : i32
    %dma_start3A_29 = tpu.memref_slice %arg17[%dma_start3A_28] : memref<8000xf32, #tpu.memory_space<vmem>> -> memref<4000xf32, #tpu.memory_space<vmem>>
    %dma_start3A_30 = tpu.memref_slice %arg7[%add3A_4] : memref<640000xf32, #tpu.memory_space<hbm>> -> memref<4000xf32, #tpu.memory_space<hbm>>
    %dma_start3A_31 = arith.constant 0 : i32
    %dma_start3A_32 = tpu.memref_slice %arg17[%dma_start3A_31] : memref<8000xf32, #tpu.memory_space<vmem>> -> memref<4000xf32, #tpu.memory_space<vmem>>
    %dma_start3A_33 = tpu.memref_slice %arg7[%add3A_4] : memref<640000xf32, #tpu.memory_space<hbm>> -> memref<4000xf32, #tpu.memory_space<hbm>>
    tpu.enqueue_dma source(%dma_start3A_33 : memref<4000xf32, #tpu.memory_space<hbm>>) target(%dma_start3A_32 : memref<4000xf32, #tpu.memory_space<vmem>>) target_semaphore(%arg18 : memref<!tpu.dma_semaphore, #tpu.memory_space<semaphore_mem>>)
    "tpu.region"() ({
      %run_scoped3A = tpu.sem_alloc : memref<!tpu.dma_semaphore, #tpu.memory_space<semaphore_mem>>
      tpu.enqueue_dma source(%arg2 : memref<10240xf32, #tpu.memory_space<hbm>>) target(%arg10 : memref<10240xf32, #tpu.memory_space<vmem>>) target_semaphore(%run_scoped3A : memref<!tpu.dma_semaphore, #tpu.memory_space<semaphore_mem>>)
      tpu.wait_dma2 semaphore(%run_scoped3A : memref<!tpu.dma_semaphore, #tpu.memory_space<semaphore_mem>>) src(%arg2 : memref<10240xf32, #tpu.memory_space<hbm>>) dst(%arg10 : memref<10240xf32, #tpu.memory_space<vmem>>)
      tpu.yield
    }) : () -> ()
    %broadcast_in_dim3A = arith.constant 0.000000e+00 : f32
    %broadcast_in_dim3A_34 = vector.broadcast %broadcast_in_dim3A : f32 to vector<16xf32>
    %scan3A = arith.constant 0 : i32
    %scan3A_35 = arith.constant 0 : i32
    %scan3A_36 = arith.constant 640 : i32
    %scan3A_37 = arith.addi %scan3A_35, %scan3A_36 : i32
    %scan3A_38 = arith.constant 1 : i32
    scf.for %scan3A_46 = %scan3A_35 to %scan3A_37 step %scan3A_38  : i32 {
      %mul3A_47 = arith.constant 16 : i32
      %mul3A_48 = arith.muli %scan3A_46, %mul3A_47 : i32
      %swap3A = arith.index_cast %mul3A_48 : i32 to index
      %swap3A_49 = tpu.vector_load %arg11[%swap3A] {strides = array<i32>} : memref<10240xf32, #tpu.memory_space<vmem>>, vector<16xf32>,
      tpu.vector_store %arg11[%swap3A], %broadcast_in_dim3A_34 {strides = array<i32>} : memref<10240xf32, #tpu.memory_space<vmem>>, vector<16xf32>,
      %mul3A_50 = arith.constant 16 : i32
      %mul3A_51 = arith.muli %scan3A_46, %mul3A_50 : i32
      %swap3A_52 = arith.index_cast %mul3A_51 : i32 to index
      %swap3A_53 = tpu.vector_load %arg12[%swap3A_52] {strides = array<i32>} : memref<10240xf32, #tpu.memory_space<vmem>>, vector<16xf32>,
      tpu.vector_store %arg12[%swap3A_52], %broadcast_in_dim3A_34 {strides = array<i32>} : memref<10240xf32, #tpu.memory_space<vmem>>, vector<16xf32>,
    }
    %scan3A_39 = arith.constant 640 : i32
    %scan3A_40 = arith.constant 0 : i32
    %scan3A_41 = arith.constant 0 : i32
    %scan3A_42 = arith.constant 5 : i32
    %scan3A_43 = arith.addi %scan3A_41, %scan3A_42 : i32
    %scan3A_44 = arith.constant 1 : i32
    scf.for %scan3A_46 = %scan3A_41 to %scan3A_43 step %scan3A_44  : i32 {
      %rem3A = arith.constant 2 : i32
      %rem3A_47 = arith.remsi %scan3A_46, %rem3A : i32
      %add3A_48 = arith.constant 1 : i32
      %add3A_49 = arith.addi %scan3A_46, %add3A_48 : i32
      %lt3A = arith.constant 5 : i32
      %lt3A_50 = arith.cmpi slt, %add3A_49, %lt3A : i32
      %convert_element_type3A = arith.extui %lt3A_50 : i1 to i32
      %cond3A = arith.constant 0 : i32
      %cond3A_51 = arith.cmpi ne, %convert_element_type3A, %cond3A : i32
      scf.if %cond3A_51 {
        %eq3A_64 = arith.constant 0 : i32
        %eq3A_65 = arith.cmpi eq, %rem3A_47, %eq3A_64 : i32
        %convert_element_type3A_66 = arith.extui %eq3A_65 : i1 to i32
        %cond3A_67 = arith.constant 0 : i32
        %cond3A_68 = arith.cmpi ne, %convert_element_type3A_66, %cond3A_67 : i32
        scf.if %cond3A_68 {
          %add3A_69 = arith.constant 1 : i32
          %add3A_70 = arith.addi %scan3A_46, %add3A_69 : i32
          %mul3A_71 = arith.constant 4000 : i32
          %mul3A_72 = arith.muli %add3A_70, %mul3A_71 : i32
          %add3A_73 = arith.addi %mul3A_2, %mul3A_72 : i32
          %dma_start3A_74 = arith.constant 4000 : i32
          %dma_start3A_75 = tpu.memref_slice %arg13[%dma_start3A_74] : memref<8000xi32, #tpu.memory_space<vmem>> -> memref<4000xi32, #tpu.memory_space<vmem>>
          %dma_start3A_76 = tpu.memref_slice %arg3[%add3A_73] : memref<640000xi32, #tpu.memory_space<hbm>> -> memref<4000xi32, #tpu.memory_space<hbm>>
          %dma_start3A_77 = arith.constant 4000 : i32
          %dma_start3A_78 = tpu.memref_slice %arg13[%dma_start3A_77] : memref<8000xi32, #tpu.memory_space<vmem>> -> memref<4000xi32, #tpu.memory_space<vmem>>
          %dma_start3A_79 = tpu.memref_slice %arg3[%add3A_73] : memref<640000xi32, #tpu.memory_space<hbm>> -> memref<4000xi32, #tpu.memory_space<hbm>>
          tpu.enqueue_dma source(%dma_start3A_79 : memref<4000xi32, #tpu.memory_space<hbm>>) target(%dma_start3A_78 : memref<4000xi32, #tpu.memory_space<vmem>>) target_semaphore(%arg19 : memref<!tpu.dma_semaphore, #tpu.memory_space<semaphore_mem>>)
          %dma_start3A_80 = arith.constant 4000 : i32
          %dma_start3A_81 = tpu.memref_slice %arg14[%dma_start3A_80] : memref<8000xi32, #tpu.memory_space<vmem>> -> memref<4000xi32, #tpu.memory_space<vmem>>
          %dma_start3A_82 = tpu.memref_slice %arg4[%add3A_73] : memref<640000xi32, #tpu.memory_space<hbm>> -> memref<4000xi32, #tpu.memory_space<hbm>>
          %dma_start3A_83 = arith.constant 4000 : i32
          %dma_start3A_84 = tpu.memref_slice %arg14[%dma_start3A_83] : memref<8000xi32, #tpu.memory_space<vmem>> -> memref<4000xi32, #tpu.memory_space<vmem>>
          %dma_start3A_85 = tpu.memref_slice %arg4[%add3A_73] : memref<640000xi32, #tpu.memory_space<hbm>> -> memref<4000xi32, #tpu.memory_space<hbm>>
          tpu.enqueue_dma source(%dma_start3A_85 : memref<4000xi32, #tpu.memory_space<hbm>>) target(%dma_start3A_84 : memref<4000xi32, #tpu.memory_space<vmem>>) target_semaphore(%arg19 : memref<!tpu.dma_semaphore, #tpu.memory_space<semaphore_mem>>)
          %dma_start3A_86 = arith.constant 4000 : i32
          %dma_start3A_87 = tpu.memref_slice %arg15[%dma_start3A_86] : memref<8000xf32, #tpu.memory_space<vmem>> -> memref<4000xf32, #tpu.memory_space<vmem>>
          %dma_start3A_88 = tpu.memref_slice %arg5[%add3A_73] : memref<640000xf32, #tpu.memory_space<hbm>> -> memref<4000xf32, #tpu.memory_space<hbm>>
          %dma_start3A_89 = arith.constant 4000 : i32
          %dma_start3A_90 = tpu.memref_slice %arg15[%dma_start3A_89] : memref<8000xf32, #tpu.memory_space<vmem>> -> memref<4000xf32, #tpu.memory_space<vmem>>
          %dma_start3A_91 = tpu.memref_slice %arg5[%add3A_73] : memref<640000xf32, #tpu.memory_space<hbm>> -> memref<4000xf32, #tpu.memory_space<hbm>>
          tpu.enqueue_dma source(%dma_start3A_91 : memref<4000xf32, #tpu.memory_space<hbm>>) target(%dma_start3A_90 : memref<4000xf32, #tpu.memory_space<vmem>>) target_semaphore(%arg19 : memref<!tpu.dma_semaphore, #tpu.memory_space<semaphore_mem>>)
          %dma_start3A_92 = arith.constant 4000 : i32
          %dma_start3A_93 = tpu.memref_slice %arg16[%dma_start3A_92] : memref<8000xf32, #tpu.memory_space<vmem>> -> memref<4000xf32, #tpu.memory_space<vmem>>
          %dma_start3A_94 = tpu.memref_slice %arg6[%add3A_73] : memref<640000xf32, #tpu.memory_space<hbm>> -> memref<4000xf32, #tpu.memory_space<hbm>>
          %dma_start3A_95 = arith.constant 4000 : i32
          %dma_start3A_96 = tpu.memref_slice %arg16[%dma_start3A_95] : memref<8000xf32, #tpu.memory_space<vmem>> -> memref<4000xf32, #tpu.memory_space<vmem>>
          %dma_start3A_97 = tpu.memref_slice %arg6[%add3A_73] : memref<640000xf32, #tpu.memory_space<hbm>> -> memref<4000xf32, #tpu.memory_space<hbm>>
          tpu.enqueue_dma source(%dma_start3A_97 : memref<4000xf32, #tpu.memory_space<hbm>>) target(%dma_start3A_96 : memref<4000xf32, #tpu.memory_space<vmem>>) target_semaphore(%arg19 : memref<!tpu.dma_semaphore, #tpu.memory_space<semaphore_mem>>)
          %dma_start3A_98 = arith.constant 4000 : i32
          %dma_start3A_99 = tpu.memref_slice %arg17[%dma_start3A_98] : memref<8000xf32, #tpu.memory_space<vmem>> -> memref<4000xf32, #tpu.memory_space<vmem>>
          %dma_start3A_100 = tpu.memref_slice %arg7[%add3A_73] : memref<640000xf32, #tpu.memory_space<hbm>> -> memref<4000xf32, #tpu.memory_space<hbm>>
          %dma_start3A_101 = arith.constant 4000 : i32
          %dma_start3A_102 = tpu.memref_slice %arg17[%dma_start3A_101] : memref<8000xf32, #tpu.memory_space<vmem>> -> memref<4000xf32, #tpu.memory_space<vmem>>
          %dma_start3A_103 = tpu.memref_slice %arg7[%add3A_73] : memref<640000xf32, #tpu.memory_space<hbm>> -> memref<4000xf32, #tpu.memory_space<hbm>>
          tpu.enqueue_dma source(%dma_start3A_103 : memref<4000xf32, #tpu.memory_space<hbm>>) target(%dma_start3A_102 : memref<4000xf32, #tpu.memory_space<vmem>>) target_semaphore(%arg19 : memref<!tpu.dma_semaphore, #tpu.memory_space<semaphore_mem>>)
        } else {
          %add3A_69 = arith.constant 1 : i32
          %add3A_70 = arith.addi %scan3A_46, %add3A_69 : i32
          %mul3A_71 = arith.constant 4000 : i32
          %mul3A_72 = arith.muli %add3A_70, %mul3A_71 : i32
          %add3A_73 = arith.addi %mul3A_2, %mul3A_72 : i32
          %dma_start3A_74 = arith.constant 0 : i32
          %dma_start3A_75 = tpu.memref_slice %arg13[%dma_start3A_74] : memref<8000xi32, #tpu.memory_space<vmem>> -> memref<4000xi32, #tpu.memory_space<vmem>>
          %dma_start3A_76 = tpu.memref_slice %arg3[%add3A_73] : memref<640000xi32, #tpu.memory_space<hbm>> -> memref<4000xi32, #tpu.memory_space<hbm>>
          %dma_start3A_77 = arith.constant 0 : i32
          %dma_start3A_78 = tpu.memref_slice %arg13[%dma_start3A_77] : memref<8000xi32, #tpu.memory_space<vmem>> -> memref<4000xi32, #tpu.memory_space<vmem>>
          %dma_start3A_79 = tpu.memref_slice %arg3[%add3A_73] : memref<640000xi32, #tpu.memory_space<hbm>> -> memref<4000xi32, #tpu.memory_space<hbm>>
          tpu.enqueue_dma source(%dma_start3A_79 : memref<4000xi32, #tpu.memory_space<hbm>>) target(%dma_start3A_78 : memref<4000xi32, #tpu.memory_space<vmem>>) target_semaphore(%arg18 : memref<!tpu.dma_semaphore, #tpu.memory_space<semaphore_mem>>)
          %dma_start3A_80 = arith.constant 0 : i32
          %dma_start3A_81 = tpu.memref_slice %arg14[%dma_start3A_80] : memref<8000xi32, #tpu.memory_space<vmem>> -> memref<4000xi32, #tpu.memory_space<vmem>>
          %dma_start3A_82 = tpu.memref_slice %arg4[%add3A_73] : memref<640000xi32, #tpu.memory_space<hbm>> -> memref<4000xi32, #tpu.memory_space<hbm>>
          %dma_start3A_83 = arith.constant 0 : i32
          %dma_start3A_84 = tpu.memref_slice %arg14[%dma_start3A_83] : memref<8000xi32, #tpu.memory_space<vmem>> -> memref<4000xi32, #tpu.memory_space<vmem>>
          %dma_start3A_85 = tpu.memref_slice %arg4[%add3A_73] : memref<640000xi32, #tpu.memory_space<hbm>> -> memref<4000xi32, #tpu.memory_space<hbm>>
          tpu.enqueue_dma source(%dma_start3A_85 : memref<4000xi32, #tpu.memory_space<hbm>>) target(%dma_start3A_84 : memref<4000xi32, #tpu.memory_space<vmem>>) target_semaphore(%arg18 : memref<!tpu.dma_semaphore, #tpu.memory_space<semaphore_mem>>)
          %dma_start3A_86 = arith.constant 0 : i32
          %dma_start3A_87 = tpu.memref_slice %arg15[%dma_start3A_86] : memref<8000xf32, #tpu.memory_space<vmem>> -> memref<4000xf32, #tpu.memory_space<vmem>>
          %dma_start3A_88 = tpu.memref_slice %arg5[%add3A_73] : memref<640000xf32, #tpu.memory_space<hbm>> -> memref<4000xf32, #tpu.memory_space<hbm>>
          %dma_start3A_89 = arith.constant 0 : i32
          %dma_start3A_90 = tpu.memref_slice %arg15[%dma_start3A_89] : memref<8000xf32, #tpu.memory_space<vmem>> -> memref<4000xf32, #tpu.memory_space<vmem>>
          %dma_start3A_91 = tpu.memref_slice %arg5[%add3A_73] : memref<640000xf32, #tpu.memory_space<hbm>> -> memref<4000xf32, #tpu.memory_space<hbm>>
          tpu.enqueue_dma source(%dma_start3A_91 : memref<4000xf32, #tpu.memory_space<hbm>>) target(%dma_start3A_90 : memref<4000xf32, #tpu.memory_space<vmem>>) target_semaphore(%arg18 : memref<!tpu.dma_semaphore, #tpu.memory_space<semaphore_mem>>)
          %dma_start3A_92 = arith.constant 0 : i32
          %dma_start3A_93 = tpu.memref_slice %arg16[%dma_start3A_92] : memref<8000xf32, #tpu.memory_space<vmem>> -> memref<4000xf32, #tpu.memory_space<vmem>>
          %dma_start3A_94 = tpu.memref_slice %arg6[%add3A_73] : memref<640000xf32, #tpu.memory_space<hbm>> -> memref<4000xf32, #tpu.memory_space<hbm>>
          %dma_start3A_95 = arith.constant 0 : i32
          %dma_start3A_96 = tpu.memref_slice %arg16[%dma_start3A_95] : memref<8000xf32, #tpu.memory_space<vmem>> -> memref<4000xf32, #tpu.memory_space<vmem>>
          %dma_start3A_97 = tpu.memref_slice %arg6[%add3A_73] : memref<640000xf32, #tpu.memory_space<hbm>> -> memref<4000xf32, #tpu.memory_space<hbm>>
          tpu.enqueue_dma source(%dma_start3A_97 : memref<4000xf32, #tpu.memory_space<hbm>>) target(%dma_start3A_96 : memref<4000xf32, #tpu.memory_space<vmem>>) target_semaphore(%arg18 : memref<!tpu.dma_semaphore, #tpu.memory_space<semaphore_mem>>)
          %dma_start3A_98 = arith.constant 0 : i32
          %dma_start3A_99 = tpu.memref_slice %arg17[%dma_start3A_98] : memref<8000xf32, #tpu.memory_space<vmem>> -> memref<4000xf32, #tpu.memory_space<vmem>>
          %dma_start3A_100 = tpu.memref_slice %arg7[%add3A_73] : memref<640000xf32, #tpu.memory_space<hbm>> -> memref<4000xf32, #tpu.memory_space<hbm>>
          %dma_start3A_101 = arith.constant 0 : i32
          %dma_start3A_102 = tpu.memref_slice %arg17[%dma_start3A_101] : memref<8000xf32, #tpu.memory_space<vmem>> -> memref<4000xf32, #tpu.memory_space<vmem>>
          %dma_start3A_103 = tpu.memref_slice %arg7[%add3A_73] : memref<640000xf32, #tpu.memory_space<hbm>> -> memref<4000xf32, #tpu.memory_space<hbm>>
          tpu.enqueue_dma source(%dma_start3A_103 : memref<4000xf32, #tpu.memory_space<hbm>>) target(%dma_start3A_102 : memref<4000xf32, #tpu.memory_space<vmem>>) target_semaphore(%arg18 : memref<!tpu.dma_semaphore, #tpu.memory_space<semaphore_mem>>)
        }
      } else {
      }
      %eq3A = arith.constant 0 : i32
      %eq3A_52 = arith.cmpi eq, %rem3A_47, %eq3A : i32
      %convert_element_type3A_53 = arith.extui %eq3A_52 : i1 to i32
      %cond3A_54 = arith.constant 0 : i32
      %cond3A_55 = arith.cmpi ne, %convert_element_type3A_53, %cond3A_54 : i32
      scf.if %cond3A_55 {
        %mul3A_64 = arith.constant 4000 : i32
        %mul3A_65 = arith.muli %scan3A_46, %mul3A_64 : i32
        %add3A_66 = arith.addi %mul3A_2, %mul3A_65 : i32
        %dma_wait3A = arith.constant 0 : i32
        %dma_wait3A_67 = tpu.memref_slice %arg13[%dma_wait3A] : memref<8000xi32, #tpu.memory_space<vmem>> -> memref<4000xi32, #tpu.memory_space<vmem>>
        %dma_wait3A_68 = tpu.memref_slice %arg3[%add3A_66] : memref<640000xi32, #tpu.memory_space<hbm>> -> memref<4000xi32, #tpu.memory_space<hbm>>
        %dma_wait3A_69 = arith.constant 0 : i32
        %dma_wait3A_70 = tpu.memref_slice %arg13[%dma_wait3A_69] : memref<8000xi32, #tpu.memory_space<vmem>> -> memref<4000xi32, #tpu.memory_space<vmem>>
        %dma_wait3A_71 = tpu.memref_slice %arg3[%add3A_66] : memref<640000xi32, #tpu.memory_space<hbm>> -> memref<4000xi32, #tpu.memory_space<hbm>>
        tpu.wait_dma2 semaphore(%arg18 : memref<!tpu.dma_semaphore, #tpu.memory_space<semaphore_mem>>) src(%dma_wait3A_71 : memref<4000xi32, #tpu.memory_space<hbm>>) dst(%dma_wait3A_70 : memref<4000xi32, #tpu.memory_space<vmem>>)
        %dma_wait3A_72 = arith.constant 0 : i32
        %dma_wait3A_73 = tpu.memref_slice %arg14[%dma_wait3A_72] : memref<8000xi32, #tpu.memory_space<vmem>> -> memref<4000xi32, #tpu.memory_space<vmem>>
        %dma_wait3A_74 = tpu.memref_slice %arg4[%add3A_66] : memref<640000xi32, #tpu.memory_space<hbm>> -> memref<4000xi32, #tpu.memory_space<hbm>>
        %dma_wait3A_75 = arith.constant 0 : i32
        %dma_wait3A_76 = tpu.memref_slice %arg14[%dma_wait3A_75] : memref<8000xi32, #tpu.memory_space<vmem>> -> memref<4000xi32, #tpu.memory_space<vmem>>
        %dma_wait3A_77 = tpu.memref_slice %arg4[%add3A_66] : memref<640000xi32, #tpu.memory_space<hbm>> -> memref<4000xi32, #tpu.memory_space<hbm>>
        tpu.wait_dma2 semaphore(%arg18 : memref<!tpu.dma_semaphore, #tpu.memory_space<semaphore_mem>>) src(%dma_wait3A_77 : memref<4000xi32, #tpu.memory_space<hbm>>) dst(%dma_wait3A_76 : memref<4000xi32, #tpu.memory_space<vmem>>)
        %dma_wait3A_78 = arith.constant 0 : i32
        %dma_wait3A_79 = tpu.memref_slice %arg15[%dma_wait3A_78] : memref<8000xf32, #tpu.memory_space<vmem>> -> memref<4000xf32, #tpu.memory_space<vmem>>
        %dma_wait3A_80 = tpu.memref_slice %arg5[%add3A_66] : memref<640000xf32, #tpu.memory_space<hbm>> -> memref<4000xf32, #tpu.memory_space<hbm>>
        %dma_wait3A_81 = arith.constant 0 : i32
        %dma_wait3A_82 = tpu.memref_slice %arg15[%dma_wait3A_81] : memref<8000xf32, #tpu.memory_space<vmem>> -> memref<4000xf32, #tpu.memory_space<vmem>>
        %dma_wait3A_83 = tpu.memref_slice %arg5[%add3A_66] : memref<640000xf32, #tpu.memory_space<hbm>> -> memref<4000xf32, #tpu.memory_space<hbm>>
        tpu.wait_dma2 semaphore(%arg18 : memref<!tpu.dma_semaphore, #tpu.memory_space<semaphore_mem>>) src(%dma_wait3A_83 : memref<4000xf32, #tpu.memory_space<hbm>>) dst(%dma_wait3A_82 : memref<4000xf32, #tpu.memory_space<vmem>>)
        %dma_wait3A_84 = arith.constant 0 : i32
        %dma_wait3A_85 = tpu.memref_slice %arg16[%dma_wait3A_84] : memref<8000xf32, #tpu.memory_space<vmem>> -> memref<4000xf32, #tpu.memory_space<vmem>>
        %dma_wait3A_86 = tpu.memref_slice %arg6[%add3A_66] : memref<640000xf32, #tpu.memory_space<hbm>> -> memref<4000xf32, #tpu.memory_space<hbm>>
        %dma_wait3A_87 = arith.constant 0 : i32
        %dma_wait3A_88 = tpu.memref_slice %arg16[%dma_wait3A_87] : memref<8000xf32, #tpu.memory_space<vmem>> -> memref<4000xf32, #tpu.memory_space<vmem>>
        %dma_wait3A_89 = tpu.memref_slice %arg6[%add3A_66] : memref<640000xf32, #tpu.memory_space<hbm>> -> memref<4000xf32, #tpu.memory_space<hbm>>
        tpu.wait_dma2 semaphore(%arg18 : memref<!tpu.dma_semaphore, #tpu.memory_space<semaphore_mem>>) src(%dma_wait3A_89 : memref<4000xf32, #tpu.memory_space<hbm>>) dst(%dma_wait3A_88 : memref<4000xf32, #tpu.memory_space<vmem>>)
        %dma_wait3A_90 = arith.constant 0 : i32
        %dma_wait3A_91 = tpu.memref_slice %arg17[%dma_wait3A_90] : memref<8000xf32, #tpu.memory_space<vmem>> -> memref<4000xf32, #tpu.memory_space<vmem>>
        %dma_wait3A_92 = tpu.memref_slice %arg7[%add3A_66] : memref<640000xf32, #tpu.memory_space<hbm>> -> memref<4000xf32, #tpu.memory_space<hbm>>
        %dma_wait3A_93 = arith.constant 0 : i32
        %dma_wait3A_94 = tpu.memref_slice %arg17[%dma_wait3A_93] : memref<8000xf32, #tpu.memory_space<vmem>> -> memref<4000xf32, #tpu.memory_space<vmem>>
        %dma_wait3A_95 = tpu.memref_slice %arg7[%add3A_66] : memref<640000xf32, #tpu.memory_space<hbm>> -> memref<4000xf32, #tpu.memory_space<hbm>>
        tpu.wait_dma2 semaphore(%arg18 : memref<!tpu.dma_semaphore, #tpu.memory_space<semaphore_mem>>) src(%dma_wait3A_95 : memref<4000xf32, #tpu.memory_space<hbm>>) dst(%dma_wait3A_94 : memref<4000xf32, #tpu.memory_space<vmem>>)
      } else {
        %mul3A_64 = arith.constant 4000 : i32
        %mul3A_65 = arith.muli %scan3A_46, %mul3A_64 : i32
        %add3A_66 = arith.addi %mul3A_2, %mul3A_65 : i32
        %dma_wait3A = arith.constant 4000 : i32
        %dma_wait3A_67 = tpu.memref_slice %arg13[%dma_wait3A] : memref<8000xi32, #tpu.memory_space<vmem>> -> memref<4000xi32, #tpu.memory_space<vmem>>
        %dma_wait3A_68 = tpu.memref_slice %arg3[%add3A_66] : memref<640000xi32, #tpu.memory_space<hbm>> -> memref<4000xi32, #tpu.memory_space<hbm>>
        %dma_wait3A_69 = arith.constant 4000 : i32
        %dma_wait3A_70 = tpu.memref_slice %arg13[%dma_wait3A_69] : memref<8000xi32, #tpu.memory_space<vmem>> -> memref<4000xi32, #tpu.memory_space<vmem>>
        %dma_wait3A_71 = tpu.memref_slice %arg3[%add3A_66] : memref<640000xi32, #tpu.memory_space<hbm>> -> memref<4000xi32, #tpu.memory_space<hbm>>
        tpu.wait_dma2 semaphore(%arg19 : memref<!tpu.dma_semaphore, #tpu.memory_space<semaphore_mem>>) src(%dma_wait3A_71 : memref<4000xi32, #tpu.memory_space<hbm>>) dst(%dma_wait3A_70 : memref<4000xi32, #tpu.memory_space<vmem>>)
        %dma_wait3A_72 = arith.constant 4000 : i32
        %dma_wait3A_73 = tpu.memref_slice %arg14[%dma_wait3A_72] : memref<8000xi32, #tpu.memory_space<vmem>> -> memref<4000xi32, #tpu.memory_space<vmem>>
        %dma_wait3A_74 = tpu.memref_slice %arg4[%add3A_66] : memref<640000xi32, #tpu.memory_space<hbm>> -> memref<4000xi32, #tpu.memory_space<hbm>>
        %dma_wait3A_75 = arith.constant 4000 : i32
        %dma_wait3A_76 = tpu.memref_slice %arg14[%dma_wait3A_75] : memref<8000xi32, #tpu.memory_space<vmem>> -> memref<4000xi32, #tpu.memory_space<vmem>>
        %dma_wait3A_77 = tpu.memref_slice %arg4[%add3A_66] : memref<640000xi32, #tpu.memory_space<hbm>> -> memref<4000xi32, #tpu.memory_space<hbm>>
        tpu.wait_dma2 semaphore(%arg19 : memref<!tpu.dma_semaphore, #tpu.memory_space<semaphore_mem>>) src(%dma_wait3A_77 : memref<4000xi32, #tpu.memory_space<hbm>>) dst(%dma_wait3A_76 : memref<4000xi32, #tpu.memory_space<vmem>>)
        %dma_wait3A_78 = arith.constant 4000 : i32
        %dma_wait3A_79 = tpu.memref_slice %arg15[%dma_wait3A_78] : memref<8000xf32, #tpu.memory_space<vmem>> -> memref<4000xf32, #tpu.memory_space<vmem>>
        %dma_wait3A_80 = tpu.memref_slice %arg5[%add3A_66] : memref<640000xf32, #tpu.memory_space<hbm>> -> memref<4000xf32, #tpu.memory_space<hbm>>
        %dma_wait3A_81 = arith.constant 4000 : i32
        %dma_wait3A_82 = tpu.memref_slice %arg15[%dma_wait3A_81] : memref<8000xf32, #tpu.memory_space<vmem>> -> memref<4000xf32, #tpu.memory_space<vmem>>
        %dma_wait3A_83 = tpu.memref_slice %arg5[%add3A_66] : memref<640000xf32, #tpu.memory_space<hbm>> -> memref<4000xf32, #tpu.memory_space<hbm>>
        tpu.wait_dma2 semaphore(%arg19 : memref<!tpu.dma_semaphore, #tpu.memory_space<semaphore_mem>>) src(%dma_wait3A_83 : memref<4000xf32, #tpu.memory_space<hbm>>) dst(%dma_wait3A_82 : memref<4000xf32, #tpu.memory_space<vmem>>)
        %dma_wait3A_84 = arith.constant 4000 : i32
        %dma_wait3A_85 = tpu.memref_slice %arg16[%dma_wait3A_84] : memref<8000xf32, #tpu.memory_space<vmem>> -> memref<4000xf32, #tpu.memory_space<vmem>>
        %dma_wait3A_86 = tpu.memref_slice %arg6[%add3A_66] : memref<640000xf32, #tpu.memory_space<hbm>> -> memref<4000xf32, #tpu.memory_space<hbm>>
        %dma_wait3A_87 = arith.constant 4000 : i32
        %dma_wait3A_88 = tpu.memref_slice %arg16[%dma_wait3A_87] : memref<8000xf32, #tpu.memory_space<vmem>> -> memref<4000xf32, #tpu.memory_space<vmem>>
        %dma_wait3A_89 = tpu.memref_slice %arg6[%add3A_66] : memref<640000xf32, #tpu.memory_space<hbm>> -> memref<4000xf32, #tpu.memory_space<hbm>>
        tpu.wait_dma2 semaphore(%arg19 : memref<!tpu.dma_semaphore, #tpu.memory_space<semaphore_mem>>) src(%dma_wait3A_89 : memref<4000xf32, #tpu.memory_space<hbm>>) dst(%dma_wait3A_88 : memref<4000xf32, #tpu.memory_space<vmem>>)
        %dma_wait3A_90 = arith.constant 4000 : i32
        %dma_wait3A_91 = tpu.memref_slice %arg17[%dma_wait3A_90] : memref<8000xf32, #tpu.memory_space<vmem>> -> memref<4000xf32, #tpu.memory_space<vmem>>
        %dma_wait3A_92 = tpu.memref_slice %arg7[%add3A_66] : memref<640000xf32, #tpu.memory_space<hbm>> -> memref<4000xf32, #tpu.memory_space<hbm>>
        %dma_wait3A_93 = arith.constant 4000 : i32
        %dma_wait3A_94 = tpu.memref_slice %arg17[%dma_wait3A_93] : memref<8000xf32, #tpu.memory_space<vmem>> -> memref<4000xf32, #tpu.memory_space<vmem>>
        %dma_wait3A_95 = tpu.memref_slice %arg7[%add3A_66] : memref<640000xf32, #tpu.memory_space<hbm>> -> memref<4000xf32, #tpu.memory_space<hbm>>
        tpu.wait_dma2 semaphore(%arg19 : memref<!tpu.dma_semaphore, #tpu.memory_space<semaphore_mem>>) src(%dma_wait3A_95 : memref<4000xf32, #tpu.memory_space<hbm>>) dst(%dma_wait3A_94 : memref<4000xf32, #tpu.memory_space<vmem>>)
      }
      %mul3A_56 = arith.constant 4000 : i32
      %mul3A_57 = arith.muli %rem3A_47, %mul3A_56 : i32
      %scan3A_58 = arith.constant 0 : i32
      %scan3A_59 = arith.constant 0 : i32
      %scan3A_60 = arith.constant 50 : i32
      %scan3A_61 = arith.addi %scan3A_59, %scan3A_60 : i32
      %scan3A_62 = arith.constant 1 : i32
      scf.for %scan3A_64 = %scan3A_59 to %scan3A_61 step %scan3A_62  : i32 {
        %mul3A_65 = arith.constant 5 : i32
        %mul3A_66 = arith.muli %scan3A_64, %mul3A_65 : i32
        %add3A_67 = arith.constant 0 : i32
        %add3A_68 = arith.addi %mul3A_66, %add3A_67 : i32
        %mul3A_69 = arith.constant 16 : i32
        %mul3A_70 = arith.muli %add3A_68, %mul3A_69 : i32
        %add3A_71 = arith.addi %mul3A_57, %mul3A_70 : i32
        %get3A = arith.index_cast %add3A_71 : i32 to index
        %get3A_72 = tpu.vector_load %arg13[%get3A] {strides = array<i32>} : memref<8000xi32, #tpu.memory_space<vmem>>, vector<16xi32>,
        %get3A_73 = arith.index_cast %add3A_71 : i32 to index
        %get3A_74 = tpu.vector_load %arg14[%get3A_73] {strides = array<i32>} : memref<8000xi32, #tpu.memory_space<vmem>>, vector<16xi32>,
        %gather3A = tpu.vector_load_idx %arg10[%get3A_72] : memref<10240xf32, #tpu.memory_space<vmem>>[vector<16xi32>], vector<16xf32>,
        %get3A_75 = arith.index_cast %add3A_71 : i32 to index
        %get3A_76 = tpu.vector_load %arg15[%get3A_75] {strides = array<i32>} : memref<8000xf32, #tpu.memory_space<vmem>>, vector<16xf32>,
        %mul3A_77 = arith.mulf %gather3A, %get3A_76 : vector<16xf32>
        %get3A_78 = arith.index_cast %add3A_71 : i32 to index
        %get3A_79 = tpu.vector_load %arg16[%get3A_78] {strides = array<i32>} : memref<8000xf32, #tpu.memory_space<vmem>>, vector<16xf32>,
        %add3A_80 = arith.constant 9.99999997E-7 : f32
        %add3A_81 = vector.broadcast %add3A_80 : f32 to vector<16xf32>
        %add3A_82 = arith.addf %get3A_79, %add3A_81 : vector<16xf32>
        %div3A = arith.divf %mul3A_77, %add3A_82 : vector<16xf32>
        %get3A_83 = arith.index_cast %add3A_71 : i32 to index
        %get3A_84 = tpu.vector_load %arg17[%get3A_83] {strides = array<i32>} : memref<8000xf32, #tpu.memory_space<vmem>>, vector<16xf32>,
        %add3A_85 = arith.constant 9.99999997E-7 : f32
        %add3A_86 = vector.broadcast %add3A_85 : f32 to vector<16xf32>
        %add3A_87 = arith.addf %get3A_84, %add3A_86 : vector<16xf32>
        %div3A_88 = arith.divf %mul3A_77, %add3A_87 : vector<16xf32>
        tpu.vector_store_idx %arg11[%get3A_72], %div3A {add = true} : memref<10240xf32, #tpu.memory_space<vmem>>[vector<16xi32>], vector<16xf32>,
        tpu.vector_store_idx %arg12[%get3A_72], %div3A_88 {add = true} : memref<10240xf32, #tpu.memory_space<vmem>>[vector<16xi32>], vector<16xf32>,
        %ne3A = arith.cmpi ne, %get3A_72, %get3A_74 : vector<16xi32>
        tpu.vector_store_idx %arg11[%get3A_74], %div3A masked %ne3A {add = true} : memref<10240xf32, #tpu.memory_space<vmem>>[vector<16xi32>], vector<16xf32>, vector<16xi1>
        tpu.vector_store_idx %arg12[%get3A_74], %div3A_88 masked %ne3A {add = true} : memref<10240xf32, #tpu.memory_space<vmem>>[vector<16xi32>], vector<16xf32>, vector<16xi1>
        %mul3A_89 = arith.constant 5 : i32
        %mul3A_90 = arith.muli %scan3A_64, %mul3A_89 : i32
        %add3A_91 = arith.constant 1 : i32
        %add3A_92 = arith.addi %mul3A_90, %add3A_91 : i32
        %mul3A_93 = arith.constant 16 : i32
        %mul3A_94 = arith.muli %add3A_92, %mul3A_93 : i32
        %add3A_95 = arith.addi %mul3A_57, %mul3A_94 : i32
        %get3A_96 = arith.index_cast %add3A_95 : i32 to index
        %get3A_97 = tpu.vector_load %arg13[%get3A_96] {strides = array<i32>} : memref<8000xi32, #tpu.memory_space<vmem>>, vector<16xi32>,
        %get3A_98 = arith.index_cast %add3A_95 : i32 to index
        %get3A_99 = tpu.vector_load %arg14[%get3A_98] {strides = array<i32>} : memref<8000xi32, #tpu.memory_space<vmem>>, vector<16xi32>,
        %gather3A_100 = tpu.vector_load_idx %arg10[%get3A_97] : memref<10240xf32, #tpu.memory_space<vmem>>[vector<16xi32>], vector<16xf32>,
        %get3A_101 = arith.index_cast %add3A_95 : i32 to index
        %get3A_102 = tpu.vector_load %arg15[%get3A_101] {strides = array<i32>} : memref<8000xf32, #tpu.memory_space<vmem>>, vector<16xf32>,
        %mul3A_103 = arith.mulf %gather3A_100, %get3A_102 : vector<16xf32>
        %get3A_104 = arith.index_cast %add3A_95 : i32 to index
        %get3A_105 = tpu.vector_load %arg16[%get3A_104] {strides = array<i32>} : memref<8000xf32, #tpu.memory_space<vmem>>, vector<16xf32>,
        %add3A_106 = arith.constant 9.99999997E-7 : f32
        %add3A_107 = vector.broadcast %add3A_106 : f32 to vector<16xf32>
        %add3A_108 = arith.addf %get3A_105, %add3A_107 : vector<16xf32>
        %div3A_109 = arith.divf %mul3A_103, %add3A_108 : vector<16xf32>
        %get3A_110 = arith.index_cast %add3A_95 : i32 to index
        %get3A_111 = tpu.vector_load %arg17[%get3A_110] {strides = array<i32>} : memref<8000xf32, #tpu.memory_space<vmem>>, vector<16xf32>,
        %add3A_112 = arith.constant 9.99999997E-7 : f32
        %add3A_113 = vector.broadcast %add3A_112 : f32 to vector<16xf32>
        %add3A_114 = arith.addf %get3A_111, %add3A_113 : vector<16xf32>
        %div3A_115 = arith.divf %mul3A_103, %add3A_114 : vector<16xf32>
        tpu.vector_store_idx %arg11[%get3A_97], %div3A_109 {add = true} : memref<10240xf32, #tpu.memory_space<vmem>>[vector<16xi32>], vector<16xf32>,
        tpu.vector_store_idx %arg12[%get3A_97], %div3A_115 {add = true} : memref<10240xf32, #tpu.memory_space<vmem>>[vector<16xi32>], vector<16xf32>,
        %ne3A_116 = arith.cmpi ne, %get3A_97, %get3A_99 : vector<16xi32>
        tpu.vector_store_idx %arg11[%get3A_99], %div3A_109 masked %ne3A_116 {add = true} : memref<10240xf32, #tpu.memory_space<vmem>>[vector<16xi32>], vector<16xf32>, vector<16xi1>
        tpu.vector_store_idx %arg12[%get3A_99], %div3A_115 masked %ne3A_116 {add = true} : memref<10240xf32, #tpu.memory_space<vmem>>[vector<16xi32>], vector<16xf32>, vector<16xi1>
        %mul3A_117 = arith.constant 5 : i32
        %mul3A_118 = arith.muli %scan3A_64, %mul3A_117 : i32
        %add3A_119 = arith.constant 2 : i32
        %add3A_120 = arith.addi %mul3A_118, %add3A_119 : i32
        %mul3A_121 = arith.constant 16 : i32
        %mul3A_122 = arith.muli %add3A_120, %mul3A_121 : i32
        %add3A_123 = arith.addi %mul3A_57, %mul3A_122 : i32
        %get3A_124 = arith.index_cast %add3A_123 : i32 to index
        %get3A_125 = tpu.vector_load %arg13[%get3A_124] {strides = array<i32>} : memref<8000xi32, #tpu.memory_space<vmem>>, vector<16xi32>,
        %get3A_126 = arith.index_cast %add3A_123 : i32 to index
        %get3A_127 = tpu.vector_load %arg14[%get3A_126] {strides = array<i32>} : memref<8000xi32, #tpu.memory_space<vmem>>, vector<16xi32>,
        %gather3A_128 = tpu.vector_load_idx %arg10[%get3A_125] : memref<10240xf32, #tpu.memory_space<vmem>>[vector<16xi32>], vector<16xf32>,
        %get3A_129 = arith.index_cast %add3A_123 : i32 to index
        %get3A_130 = tpu.vector_load %arg15[%get3A_129] {strides = array<i32>} : memref<8000xf32, #tpu.memory_space<vmem>>, vector<16xf32>,
        %mul3A_131 = arith.mulf %gather3A_128, %get3A_130 : vector<16xf32>
        %get3A_132 = arith.index_cast %add3A_123 : i32 to index
        %get3A_133 = tpu.vector_load %arg16[%get3A_132] {strides = array<i32>} : memref<8000xf32, #tpu.memory_space<vmem>>, vector<16xf32>,
        %add3A_134 = arith.constant 9.99999997E-7 : f32
        %add3A_135 = vector.broadcast %add3A_134 : f32 to vector<16xf32>
        %add3A_136 = arith.addf %get3A_133, %add3A_135 : vector<16xf32>
        %div3A_137 = arith.divf %mul3A_131, %add3A_136 : vector<16xf32>
        %get3A_138 = arith.index_cast %add3A_123 : i32 to index
        %get3A_139 = tpu.vector_load %arg17[%get3A_138] {strides = array<i32>} : memref<8000xf32, #tpu.memory_space<vmem>>, vector<16xf32>,
        %add3A_140 = arith.constant 9.99999997E-7 : f32
        %add3A_141 = vector.broadcast %add3A_140 : f32 to vector<16xf32>
        %add3A_142 = arith.addf %get3A_139, %add3A_141 : vector<16xf32>
        %div3A_143 = arith.divf %mul3A_131, %add3A_142 : vector<16xf32>
        tpu.vector_store_idx %arg11[%get3A_125], %div3A_137 {add = true} : memref<10240xf32, #tpu.memory_space<vmem>>[vector<16xi32>], vector<16xf32>,
        tpu.vector_store_idx %arg12[%get3A_125], %div3A_143 {add = true} : memref<10240xf32, #tpu.memory_space<vmem>>[vector<16xi32>], vector<16xf32>,
        %ne3A_144 = arith.cmpi ne, %get3A_125, %get3A_127 : vector<16xi32>
        tpu.vector_store_idx %arg11[%get3A_127], %div3A_137 masked %ne3A_144 {add = true} : memref<10240xf32, #tpu.memory_space<vmem>>[vector<16xi32>], vector<16xf32>, vector<16xi1>
        tpu.vector_store_idx %arg12[%get3A_127], %div3A_143 masked %ne3A_144 {add = true} : memref<10240xf32, #tpu.memory_space<vmem>>[vector<16xi32>], vector<16xf32>, vector<16xi1>
        %mul3A_145 = arith.constant 5 : i32
        %mul3A_146 = arith.muli %scan3A_64, %mul3A_145 : i32
        %add3A_147 = arith.constant 3 : i32
        %add3A_148 = arith.addi %mul3A_146, %add3A_147 : i32
        %mul3A_149 = arith.constant 16 : i32
        %mul3A_150 = arith.muli %add3A_148, %mul3A_149 : i32
        %add3A_151 = arith.addi %mul3A_57, %mul3A_150 : i32
        %get3A_152 = arith.index_cast %add3A_151 : i32 to index
        %get3A_153 = tpu.vector_load %arg13[%get3A_152] {strides = array<i32>} : memref<8000xi32, #tpu.memory_space<vmem>>, vector<16xi32>,
        %get3A_154 = arith.index_cast %add3A_151 : i32 to index
        %get3A_155 = tpu.vector_load %arg14[%get3A_154] {strides = array<i32>} : memref<8000xi32, #tpu.memory_space<vmem>>, vector<16xi32>,
        %gather3A_156 = tpu.vector_load_idx %arg10[%get3A_153] : memref<10240xf32, #tpu.memory_space<vmem>>[vector<16xi32>], vector<16xf32>,
        %get3A_157 = arith.index_cast %add3A_151 : i32 to index
        %get3A_158 = tpu.vector_load %arg15[%get3A_157] {strides = array<i32>} : memref<8000xf32, #tpu.memory_space<vmem>>, vector<16xf32>,
        %mul3A_159 = arith.mulf %gather3A_156, %get3A_158 : vector<16xf32>
        %get3A_160 = arith.index_cast %add3A_151 : i32 to index
        %get3A_161 = tpu.vector_load %arg16[%get3A_160] {strides = array<i32>} : memref<8000xf32, #tpu.memory_space<vmem>>, vector<16xf32>,
        %add3A_162 = arith.constant 9.99999997E-7 : f32
        %add3A_163 = vector.broadcast %add3A_162 : f32 to vector<16xf32>
        %add3A_164 = arith.addf %get3A_161, %add3A_163 : vector<16xf32>
        %div3A_165 = arith.divf %mul3A_159, %add3A_164 : vector<16xf32>
        %get3A_166 = arith.index_cast %add3A_151 : i32 to index
        %get3A_167 = tpu.vector_load %arg17[%get3A_166] {strides = array<i32>} : memref<8000xf32, #tpu.memory_space<vmem>>, vector<16xf32>,
        %add3A_168 = arith.constant 9.99999997E-7 : f32
        %add3A_169 = vector.broadcast %add3A_168 : f32 to vector<16xf32>
        %add3A_170 = arith.addf %get3A_167, %add3A_169 : vector<16xf32>
        %div3A_171 = arith.divf %mul3A_159, %add3A_170 : vector<16xf32>
        tpu.vector_store_idx %arg11[%get3A_153], %div3A_165 {add = true} : memref<10240xf32, #tpu.memory_space<vmem>>[vector<16xi32>], vector<16xf32>,
        tpu.vector_store_idx %arg12[%get3A_153], %div3A_171 {add = true} : memref<10240xf32, #tpu.memory_space<vmem>>[vector<16xi32>], vector<16xf32>,
        %ne3A_172 = arith.cmpi ne, %get3A_153, %get3A_155 : vector<16xi32>
        tpu.vector_store_idx %arg11[%get3A_155], %div3A_165 masked %ne3A_172 {add = true} : memref<10240xf32, #tpu.memory_space<vmem>>[vector<16xi32>], vector<16xf32>, vector<16xi1>
        tpu.vector_store_idx %arg12[%get3A_155], %div3A_171 masked %ne3A_172 {add = true} : memref<10240xf32, #tpu.memory_space<vmem>>[vector<16xi32>], vector<16xf32>, vector<16xi1>
        %mul3A_173 = arith.constant 5 : i32
        %mul3A_174 = arith.muli %scan3A_64, %mul3A_173 : i32
        %add3A_175 = arith.constant 4 : i32
        %add3A_176 = arith.addi %mul3A_174, %add3A_175 : i32
        %mul3A_177 = arith.constant 16 : i32
        %mul3A_178 = arith.muli %add3A_176, %mul3A_177 : i32
        %add3A_179 = arith.addi %mul3A_57, %mul3A_178 : i32
        %get3A_180 = arith.index_cast %add3A_179 : i32 to index
        %get3A_181 = tpu.vector_load %arg13[%get3A_180] {strides = array<i32>} : memref<8000xi32, #tpu.memory_space<vmem>>, vector<16xi32>,
        %get3A_182 = arith.index_cast %add3A_179 : i32 to index
        %get3A_183 = tpu.vector_load %arg14[%get3A_182] {strides = array<i32>} : memref<8000xi32, #tpu.memory_space<vmem>>, vector<16xi32>,
        %gather3A_184 = tpu.vector_load_idx %arg10[%get3A_181] : memref<10240xf32, #tpu.memory_space<vmem>>[vector<16xi32>], vector<16xf32>,
        %get3A_185 = arith.index_cast %add3A_179 : i32 to index
        %get3A_186 = tpu.vector_load %arg15[%get3A_185] {strides = array<i32>} : memref<8000xf32, #tpu.memory_space<vmem>>, vector<16xf32>,
        %mul3A_187 = arith.mulf %gather3A_184, %get3A_186 : vector<16xf32>
        %get3A_188 = arith.index_cast %add3A_179 : i32 to index
        %get3A_189 = tpu.vector_load %arg16[%get3A_188] {strides = array<i32>} : memref<8000xf32, #tpu.memory_space<vmem>>, vector<16xf32>,
        %add3A_190 = arith.constant 9.99999997E-7 : f32
        %add3A_191 = vector.broadcast %add3A_190 : f32 to vector<16xf32>
        %add3A_192 = arith.addf %get3A_189, %add3A_191 : vector<16xf32>
        %div3A_193 = arith.divf %mul3A_187, %add3A_192 : vector<16xf32>
        %get3A_194 = arith.index_cast %add3A_179 : i32 to index
        %get3A_195 = tpu.vector_load %arg17[%get3A_194] {strides = array<i32>} : memref<8000xf32, #tpu.memory_space<vmem>>, vector<16xf32>,
        %add3A_196 = arith.constant 9.99999997E-7 : f32
        %add3A_197 = vector.broadcast %add3A_196 : f32 to vector<16xf32>
        %add3A_198 = arith.addf %get3A_195, %add3A_197 : vector<16xf32>
        %div3A_199 = arith.divf %mul3A_187, %add3A_198 : vector<16xf32>
        tpu.vector_store_idx %arg11[%get3A_181], %div3A_193 {add = true} : memref<10240xf32, #tpu.memory_space<vmem>>[vector<16xi32>], vector<16xf32>,
        tpu.vector_store_idx %arg12[%get3A_181], %div3A_199 {add = true} : memref<10240xf32, #tpu.memory_space<vmem>>[vector<16xi32>], vector<16xf32>,
        %ne3A_200 = arith.cmpi ne, %get3A_181, %get3A_183 : vector<16xi32>
        tpu.vector_store_idx %arg11[%get3A_183], %div3A_193 masked %ne3A_200 {add = true} : memref<10240xf32, #tpu.memory_space<vmem>>[vector<16xi32>], vector<16xf32>, vector<16xi1>
        tpu.vector_store_idx %arg12[%get3A_183], %div3A_199 masked %ne3A_200 {add = true} : memref<10240xf32, #tpu.memory_space<vmem>>[vector<16xi32>], vector<16xf32>, vector<16xi1>
      }
      %scan3A_63 = arith.constant 50 : i32
    }
    %scan3A_45 = arith.constant 5 : i32
    "tpu.region"() ({
      %run_scoped3A = tpu.sem_alloc : memref<!tpu.dma_semaphore, #tpu.memory_space<semaphore_mem>>
      %dma_start3A_46 = arith.constant 0 : i32
      %dma_start3A_47 = tpu.memref_slice %arg8[%add3A, %dma_start3A_46] : memref<32x10240xf32, #tpu.memory_space<hbm>> -> memref<1x10240xf32, #tpu.memory_space<hbm>>
      %dma_start3A_48 = tpu.memref_squeeze %dma_start3A_47 : memref<1x10240xf32, #tpu.memory_space<hbm>> -> memref<10240xf32, #tpu.memory_space<hbm>>
      %dma_start3A_49 = arith.constant 0 : i32
      %dma_start3A_50 = tpu.memref_slice %arg8[%add3A, %dma_start3A_49] : memref<32x10240xf32, #tpu.memory_space<hbm>> -> memref<1x10240xf32, #tpu.memory_space<hbm>>
      %dma_start3A_51 = tpu.memref_squeeze %dma_start3A_50 : memref<1x10240xf32, #tpu.memory_space<hbm>> -> memref<10240xf32, #tpu.memory_space<hbm>>
      tpu.enqueue_dma source(%arg11 : memref<10240xf32, #tpu.memory_space<vmem>>) target(%dma_start3A_51 : memref<10240xf32, #tpu.memory_space<hbm>>) target_semaphore(%run_scoped3A : memref<!tpu.dma_semaphore, #tpu.memory_space<semaphore_mem>>)
      %dma_wait3A = arith.constant 0 : i32
      %dma_wait3A_52 = tpu.memref_slice %arg8[%add3A, %dma_wait3A] : memref<32x10240xf32, #tpu.memory_space<hbm>> -> memref<1x10240xf32, #tpu.memory_space<hbm>>
      %dma_wait3A_53 = tpu.memref_squeeze %dma_wait3A_52 : memref<1x10240xf32, #tpu.memory_space<hbm>> -> memref<10240xf32, #tpu.memory_space<hbm>>
      %dma_wait3A_54 = arith.constant 0 : i32
      %dma_wait3A_55 = tpu.memref_slice %arg8[%add3A, %dma_wait3A_54] : memref<32x10240xf32, #tpu.memory_space<hbm>> -> memref<1x10240xf32, #tpu.memory_space<hbm>>
      %dma_wait3A_56 = tpu.memref_squeeze %dma_wait3A_55 : memref<1x10240xf32, #tpu.memory_space<hbm>> -> memref<10240xf32, #tpu.memory_space<hbm>>
      tpu.wait_dma2 semaphore(%run_scoped3A : memref<!tpu.dma_semaphore, #tpu.memory_space<semaphore_mem>>) src(%arg11 : memref<10240xf32, #tpu.memory_space<vmem>>) dst(%dma_wait3A_56 : memref<10240xf32, #tpu.memory_space<hbm>>)
      tpu.yield
    }) : () -> ()
    "tpu.region"() ({
      %run_scoped3A = tpu.sem_alloc : memref<!tpu.dma_semaphore, #tpu.memory_space<semaphore_mem>>
      %dma_start3A_46 = arith.constant 0 : i32
      %dma_start3A_47 = tpu.memref_slice %arg9[%add3A, %dma_start3A_46] : memref<32x10240xf32, #tpu.memory_space<hbm>> -> memref<1x10240xf32, #tpu.memory_space<hbm>>
      %dma_start3A_48 = tpu.memref_squeeze %dma_start3A_47 : memref<1x10240xf32, #tpu.memory_space<hbm>> -> memref<10240xf32, #tpu.memory_space<hbm>>
      %dma_start3A_49 = arith.constant 0 : i32
      %dma_start3A_50 = tpu.memref_slice %arg9[%add3A, %dma_start3A_49] : memref<32x10240xf32, #tpu.memory_space<hbm>> -> memref<1x10240xf32, #tpu.memory_space<hbm>>
      %dma_start3A_51 = tpu.memref_squeeze %dma_start3A_50 : memref<1x10240xf32, #tpu.memory_space<hbm>> -> memref<10240xf32, #tpu.memory_space<hbm>>
      tpu.enqueue_dma source(%arg12 : memref<10240xf32, #tpu.memory_space<vmem>>) target(%dma_start3A_51 : memref<10240xf32, #tpu.memory_space<hbm>>) target_semaphore(%run_scoped3A : memref<!tpu.dma_semaphore, #tpu.memory_space<semaphore_mem>>)
      %dma_wait3A = arith.constant 0 : i32
      %dma_wait3A_52 = tpu.memref_slice %arg9[%add3A, %dma_wait3A] : memref<32x10240xf32, #tpu.memory_space<hbm>> -> memref<1x10240xf32, #tpu.memory_space<hbm>>
      %dma_wait3A_53 = tpu.memref_squeeze %dma_wait3A_52 : memref<1x10240xf32, #tpu.memory_space<hbm>> -> memref<10240xf32, #tpu.memory_space<hbm>>
      %dma_wait3A_54 = arith.constant 0 : i32
      %dma_wait3A_55 = tpu.memref_slice %arg9[%add3A, %dma_wait3A_54] : memref<32x10240xf32, #tpu.memory_space<hbm>> -> memref<1x10240xf32, #tpu.memory_space<hbm>>
      %dma_wait3A_56 = tpu.memref_squeeze %dma_wait3A_55 : memref<1x10240xf32, #tpu.memory_space<hbm>> -> memref<10240xf32, #tpu.memory_space<hbm>>
      tpu.wait_dma2 semaphore(%run_scoped3A : memref<!tpu.dma_semaphore, #tpu.memory_space<semaphore_mem>>) src(%arg12 : memref<10240xf32, #tpu.memory_space<vmem>>) dst(%dma_wait3A_56 : memref<10240xf32, #tpu.memory_space<hbm>>)
      tpu.yield
    }) : () -> ()
    return
  }
}

module attributes {stable_mosaic.version = 14 : i64} {
  func.func @_prep_body(%arg0: memref<10000x128xf32, #tpu.memory_space<vmem>>, %arg1: memref<10240xf32, #tpu.memory_space<vmem>>, %arg2: memref<10240xf32, #tpu.memory_space<vmem>>, %arg3: memref<10240xf32, #tpu.memory_space<vmem>>) attributes {dimension_semantics = [], scalar_prefetch = 0 : i64, scratch_operands = 0 : i64, tpu.core_type = #tpu.core_type<tc>} {
    %get3A = arith.constant 0 : index
    %get3A_0 = arith.constant 0 : index
    %get3A_1 = vector.load %arg0[%get3A, %get3A_0] : memref<10000x128xf32, #tpu.memory_space<vmem>>, vector<10000x128xf32>
    %iota3A = tpu.iota {dimensions = array<i32: 1>} : vector<4x128xi32>
    %iota3A_2 = tpu.iota {dimensions = array<i32: 0>} : vector<4x128xi32>
    %eq3A = arith.cmpi eq, %iota3A, %iota3A_2 : vector<4x128xi32>
    %jit3A = arith.constant 1.000000e+00 : f32
    %jit3A_3 = arith.constant 0.000000e+00 : f32
    %broadcast_in_dim3A = vector.broadcast %jit3A : f32 to vector<4x128xf32>
    %broadcast_in_dim3A_4 = vector.broadcast %jit3A_3 : f32 to vector<4x128xf32>
    %select_n3A = arith.select %eq3A, %broadcast_in_dim3A, %broadcast_in_dim3A_4 : vector<4x128xi1>, vector<4x128xf32>
    %dot_general3A = arith.constant dense<0.000000e+00> : vector<4x10000xf32>
    %dot_general3A_5 = tpu.matmul %select_n3A, %get3A_1, %dot_general3A {dimension_numbers = #tpu.dot_dimension_numbers<[1], [1], [0], [0], [0, 0, 1, 0], [], []>, precision = #tpu.contract_precision<fp32>, transpose_lhs_hint = false} : vector<4x128xf32>, vector<10000x128xf32>, vector<4x10000xf32> -> vector<4x10000xf32>
    %slice3A = vector.extract_strided_slice %dot_general3A_5 {offsets = [0, 0], sizes = [1, 10000], strides = [1, 1]} : vector<4x10000xf32> to vector<1x10000xf32>
    %slice3A_6 = vector.extract_strided_slice %dot_general3A_5 {offsets = [0, 0], sizes = [1, 10000], strides = [1, 1]} : vector<4x10000xf32> to vector<1x10000xf32>
    %mul3A = arith.mulf %slice3A, %slice3A_6 : vector<1x10000xf32>
    %slice3A_7 = vector.extract_strided_slice %dot_general3A_5 {offsets = [1, 0], sizes = [1, 10000], strides = [1, 1]} : vector<4x10000xf32> to vector<1x10000xf32>
    %slice3A_8 = vector.extract_strided_slice %dot_general3A_5 {offsets = [1, 0], sizes = [1, 10000], strides = [1, 1]} : vector<4x10000xf32> to vector<1x10000xf32>
    %mul3A_9 = arith.mulf %slice3A_7, %slice3A_8 : vector<1x10000xf32>
    %add3A = arith.addf %mul3A, %mul3A_9 : vector<1x10000xf32>
    %broadcast_in_dim3A_10 = arith.constant 0.000000e+00 : f32
    %broadcast_in_dim3A_11 = vector.broadcast %broadcast_in_dim3A_10 : f32 to vector<10240xf32>
    %swap3A = arith.constant 0 : index
    %swap3A_12 = vector.load %arg1[%swap3A] : memref<10240xf32, #tpu.memory_space<vmem>>, vector<10240xf32>
    tpu.vector_store %arg1[%swap3A], %broadcast_in_dim3A_11 {strides = array<i32>} : memref<10240xf32, #tpu.memory_space<vmem>>, vector<10240xf32>,
    %swap3A_13 = arith.constant 0 : index
    %swap3A_14 = vector.load %arg2[%swap3A_13] : memref<10240xf32, #tpu.memory_space<vmem>>, vector<10240xf32>
    tpu.vector_store %arg2[%swap3A_13], %broadcast_in_dim3A_11 {strides = array<i32>} : memref<10240xf32, #tpu.memory_space<vmem>>, vector<10240xf32>,
    %swap3A_15 = arith.constant 0 : index
    %swap3A_16 = vector.load %arg3[%swap3A_15] : memref<10240xf32, #tpu.memory_space<vmem>>, vector<10240xf32>
    tpu.vector_store %arg3[%swap3A_15], %broadcast_in_dim3A_11 {strides = array<i32>} : memref<10240xf32, #tpu.memory_space<vmem>>, vector<10240xf32>,
    %reshape3A = vector.shape_cast %add3A : vector<1x10000xf32> to vector<10000xf32>
    %swap3A_17 = arith.constant 0 : index
    %swap3A_18 = vector.load %arg1[%swap3A_17] : memref<10240xf32, #tpu.memory_space<vmem>>, vector<10000xf32>
    tpu.vector_store %arg1[%swap3A_17], %reshape3A {strides = array<i32>} : memref<10240xf32, #tpu.memory_space<vmem>>, vector<10000xf32>,
    %slice3A_19 = vector.extract_strided_slice %dot_general3A_5 {offsets = [2, 0], sizes = [1, 10000], strides = [1, 1]} : vector<4x10000xf32> to vector<1x10000xf32>
    %reshape3A_20 = vector.shape_cast %slice3A_19 : vector<1x10000xf32> to vector<10000xf32>
    %swap3A_21 = arith.constant 0 : index
    %swap3A_22 = vector.load %arg2[%swap3A_21] : memref<10240xf32, #tpu.memory_space<vmem>>, vector<10000xf32>
    tpu.vector_store %arg2[%swap3A_21], %reshape3A_20 {strides = array<i32>} : memref<10240xf32, #tpu.memory_space<vmem>>, vector<10000xf32>,
    %slice3A_23 = vector.extract_strided_slice %dot_general3A_5 {offsets = [3, 0], sizes = [1, 10000], strides = [1, 1]} : vector<4x10000xf32> to vector<1x10000xf32>
    %reshape3A_24 = vector.shape_cast %slice3A_23 : vector<1x10000xf32> to vector<10000xf32>
    %swap3A_25 = arith.constant 0 : index
    %swap3A_26 = vector.load %arg3[%swap3A_25] : memref<10240xf32, #tpu.memory_space<vmem>>, vector<10000xf32>
    tpu.vector_store %arg3[%swap3A_25], %reshape3A_24 {strides = array<i32>} : memref<10240xf32, #tpu.memory_space<vmem>>, vector<10000xf32>,
    return
  }
}

module attributes {stable_mosaic.version = 14 : i64} {
  func.func @_tc_loss_body(%arg0: memref<32x10240xf32, #tpu.memory_space<vmem>>, %arg1: memref<32x10240xf32, #tpu.memory_space<vmem>>, %arg2: memref<10240xf32, #tpu.memory_space<vmem>>, %arg3: memref<10240xf32, #tpu.memory_space<vmem>>, %arg4: memref<10240xf32, #tpu.memory_space<vmem>>, %arg5: memref<1x1xf32, #tpu.memory_space<smem>>) attributes {dimension_semantics = [], scalar_prefetch = 0 : i64, scratch_operands = 0 : i64, tpu.core_type = #tpu.core_type<tc>} {
    %get3A = arith.constant 0 : index
    %get3A_0 = arith.constant 0 : index
    %get3A_1 = vector.load %arg0[%get3A, %get3A_0] : memref<32x10240xf32, #tpu.memory_space<vmem>>, vector<32x10240xf32>
    %reduce_sum3A = arith.constant dense<0.000000e+00> : vector<10240xf32>
    %reduce_sum3A_2 = vector.multi_reduction <add>, %get3A_1, %reduce_sum3A [0] : vector<32x10240xf32> to vector<10240xf32>
    %get3A_3 = arith.constant 0 : index
    %get3A_4 = arith.constant 0 : index
    %get3A_5 = vector.load %arg1[%get3A_3, %get3A_4] : memref<32x10240xf32, #tpu.memory_space<vmem>>, vector<32x10240xf32>
    %reduce_sum3A_6 = arith.constant dense<0.000000e+00> : vector<10240xf32>
    %reduce_sum3A_7 = vector.multi_reduction <add>, %get3A_5, %reduce_sum3A_6 [0] : vector<32x10240xf32> to vector<10240xf32>
    %get3A_8 = arith.constant 0 : index
    %get3A_9 = vector.load %arg2[%get3A_8] : memref<10240xf32, #tpu.memory_space<vmem>>, vector<10240xf32>
    %sqrt3A = math.sqrt %get3A_9 : vector<10240xf32>
    %get3A_10 = arith.constant 0 : index
    %get3A_11 = vector.load %arg3[%get3A_10] : memref<10240xf32, #tpu.memory_space<vmem>>, vector<10240xf32>
    %add3A = arith.addf %get3A_11, %reduce_sum3A_2 : vector<10240xf32>
    %integer_pow3A = arith.mulf %add3A, %add3A : vector<10240xf32>
    %get3A_12 = arith.constant 0 : index
    %get3A_13 = vector.load %arg4[%get3A_12] : memref<10240xf32, #tpu.memory_space<vmem>>, vector<10240xf32>
    %add3A_14 = arith.addf %get3A_13, %reduce_sum3A_7 : vector<10240xf32>
    %integer_pow3A_15 = arith.mulf %add3A_14, %add3A_14 : vector<10240xf32>
    %sub3A = arith.constant 0.949999988 : f32
    %sub3A_16 = vector.broadcast %sub3A : f32 to vector<10240xf32>
    %sub3A_17 = arith.subf %sub3A_16, %sqrt3A : vector<10240xf32>
    %max3A = arith.constant 0.000000e+00 : f32
    %max3A_18 = vector.broadcast %max3A : f32 to vector<10240xf32>
    %max3A_19 = arith.maximumf %sub3A_17, %max3A_18 : vector<10240xf32>
    %sub3A_20 = arith.constant 1.050000e+00 : f32
    %sub3A_21 = vector.broadcast %sub3A_20 : f32 to vector<10240xf32>
    %sub3A_22 = arith.subf %sqrt3A, %sub3A_21 : vector<10240xf32>
    %max3A_23 = arith.constant 0.000000e+00 : f32
    %max3A_24 = vector.broadcast %max3A_23 : f32 to vector<10240xf32>
    %max3A_25 = arith.maximumf %sub3A_22, %max3A_24 : vector<10240xf32>
    %iota3A = tpu.iota {dimensions = array<i32: 1>} : vector<1x10240xi32>
    %iota3A_26 = vector.shape_cast %iota3A : vector<1x10240xi32> to vector<10240xi32>
    %lt3A = arith.constant 10000 : i32
    %lt3A_27 = vector.broadcast %lt3A : i32 to vector<10240xi32>
    %lt3A_28 = arith.cmpi slt, %iota3A_26, %lt3A_27 : vector<10240xi32>
    %add3A_29 = arith.addf %integer_pow3A, %integer_pow3A_15 : vector<10240xf32>
    %mul3A = arith.mulf %max3A_19, %max3A_19 : vector<10240xf32>
    %add3A_30 = arith.addf %add3A_29, %mul3A : vector<10240xf32>
    %mul3A_31 = arith.mulf %max3A_25, %max3A_25 : vector<10240xf32>
    %add3A_32 = arith.addf %add3A_30, %mul3A_31 : vector<10240xf32>
    %jit3A = arith.constant 0.000000e+00 : f32
    %broadcast_in_dim3A = vector.broadcast %jit3A : f32 to vector<10240xf32>
    %select_n3A = arith.select %lt3A_28, %add3A_32, %broadcast_in_dim3A : vector<10240xi1>, vector<10240xf32>
    %reduce_sum3A_33 = vector.shape_cast %select_n3A : vector<10240xf32> to vector<1x10240xf32>
    %reduce_sum3A_34 = arith.constant dense<0.000000e+00> : vector<1xf32>
    %reduce_sum3A_35 = vector.multi_reduction <add>, %reduce_sum3A_33, %reduce_sum3A_34 [1] : vector<1x10240xf32> to vector<1xf32>
    %reduce_sum3A_36 = vector.shape_cast %reduce_sum3A_35 : vector<1xf32> to vector<1x1xf32>
    %reduce_sum3A_37 = vector.extract %reduce_sum3A_36[0, 0] : f32 from vector<1x1xf32>
    %div3A = arith.constant 1.000000e+04 : f32
    %div3A_38 = arith.divf %reduce_sum3A_37, %div3A : f32
    %swap3A = arith.constant 0 : index
    %swap3A_39 = arith.constant 0 : index
    %swap3A_40 = memref.load %arg5[%swap3A, %swap3A_39] : memref<1x1xf32, #tpu.memory_space<smem>>
    memref.store %div3A_38, %arg5[%swap3A, %swap3A_39] : memref<1x1xf32, #tpu.memory_space<smem>>
    return
  }
}

</mosaic_0001>

<sc_bundles>
// kernel: kernel.5.cloned.1.call-start
scs
__scs_entry_jumppad:
0x0: {  	(pc) =	sbr.rel $0x88, $3  }
0x1: {  	(tag) =	ssettag $0x0;
	lr =	simm.s32 $0x1  }
0x2: {  	[smem:$0x3F9D] =	sst lr;
	_ =	strace $0xD0000000  }
0x3: {  	_ = 	snop  }
0x4: {  	_ = 	snop  }
0x5: {  	_ = 	snop  }
0x6: {  	_ = 	snop  }
0x7: {  	_ = 	snop  }
__scs_overlays_trampoline_lowered:
0x8: {  	[smem:$0x3FAC] =	sst s0  }
0x9: {  	[smem:$0x3FAD] =	sst s1  }
0xa: {  	[smem:$0x3FAE] =	sst s2  }
0xb: {  	[smem:$0x3FAF] =	sst s3  }
0xc: {  	[smem:$0x3FB0] =	sst s4  }
0xd: {  	[smem:$0x3FB1] =	sst s5  }
0xe: {  	[smem:$0x3FB2] =	sst s6  }
0xf: {  	[smem:$0x3FB3] =	sst s7  }
0x10: {  	[smem:$0x3FB4] =	sst s8  }
0x11: {  	[smem:$0x3FB5] =	sst s9;
	s0 =	simm.s32 @!p0 $0x0  }
0x12: {  	s1 =	sld [smem:$0x3F9B];
	s0 =	simm.s32 @p0 $0x1  }
0x13: {  	[smem:$0x3FB6] =	sst s0;
	s0 =	simm.s32 @!p1 $0x0  }
0x14: {  	s2 =	sld [smem:$0x3F9A];
	s0 =	simm.s32 @p1 $0x1  }
0x15: {  	[smem:$0x3FB7] =	sst s0;
	s0 =	simm.s32 @!p2 $0x0  }
0x16: {  	s3 =	sld [smem:$0x3FDB];
	s0 =	simm.s32 @p2 $0x1  }
0x17: {  	s4 =	simm.s32 $0x1BF5;
	[smem:$0x3FB9] =	sst s0  }
0x18: {  	s0 =	sld [smem:$0x3F9C];
	_ =	swait.ge [sflag:s4], $0x0  }
0x19: {  	s7 =	sld [smem:$0x3F9D]  }
0x1a: {  	s8 =	sadd.s32 $0xFFFFE003, lr  }
0x1b: {  	s9 =	sadd.s32 $0xFFFFFEF7, lr;
	s5 =	simm.s32 $0xFFFFFFFF;
	p2 =	slt.u32 s8, $0xFFFFF086  }
0x1c: {  	p1 =	slt.u32 s9, $0xF7A;
	s5 =	simm.s32 @!p2 $0x0  }
0x1d: {  	s5 =	simm.s32 @p1 $0x1;
	p0 =	seq.s32 s7, s2  }
0x1e: {  	s7 =	smul.u32 @!p0 $0xF7A, s2;
	p2 =	seq.s32 @!p0 s5, $0x0  }
0x1f: {  	s9 =	smul.u32 $0xF7A, s1;
	s8 =	simm.s32 @!p0 $0x1BF5;
	p2 =	por !p2, p0  }
0x20: {  	[sflag:s8] =	ssyncset.s32 @!p0 $0xFFFFF086;
	s6 =	sadd.s32 @!p0 s3, s7;
	s7 =	simm.s32 @!p0 $0x108  }
0x21: {  	s3 =	sadd.s32 s3, s9;
	s6 =	sadd.s32 @!p0 $0x88, s6;
	s7 =	simm.s32 @p2 $0x1082  }
0x22: {  	[simem:s7], [sflag:s8] =	dma.local @!p0 [hbm:s6], $0xF7A  }
0x23: {  	s9 =	sor.u32 $0xD0000000, s2;
	s6 =	simm.s32 $0x108;
	_ =	swait.ge @!p0 [sflag:s8], $0x0  }
0x24: {  	s3 =	sadd.s32 $0x88, s3;
	s6 =	simm.s32 @!p1 $0x1082;
	[sflag:s4] =	ssyncset.s32 $0xFFFFF086  }
0x25: {  	[simem:s6], [sflag:s4] =	dma.local [hbm:s3], $0xF7A  }
0x26: {  	[smem:$0x3F9D] =	sst s1;
	(tag) =	ssettag s2;
	_ =	strace s9  }
0x27: {  	s1 =	sld [smem:$0x3FAD]  }
0x28: {  	s2 =	sld [smem:$0x3FAE]  }
0x29: {  	s4 =	sld [smem:$0x3FB0]  }
0x2a: {  	p0 =	seq.s32 s5, $0x0;
	s5 =	sld [smem:$0x3FB1]  }
0x2b: {  	s6 =	sld [smem:$0x3FB2]  }
0x2c: {  	s7 =	sld [smem:$0x3FB3]  }
0x2d: {  	s3 =	simm.s32 $0x108;
	s8 =	sld [smem:$0x3FB4]  }
0x2e: {  	s3 =	simm.s32 @!p0 $0x1082;
	s9 =	sld [smem:$0x3FB5]  }
0x2f: {  	lr =	sadd.s32 s0, s3;
	s0 =	sld [smem:$0x3FAC]  }
0x30: {  	s3 =	sld [smem:$0x3FAF]  }
0x31: {  	[smem:$0x3FB8] =	sst s10  }
0x32: {  	s10 =	sld [smem:$0x3FB6];
	_ =	sdelay $0x3  }
0x33: {  	p0 =	seq.s32 s10, $0x1;
	s10 =	sld [smem:$0x3FB8];
	_ =	sdelay $0x3  }
0x34: {  	[smem:$0x3FB8] =	sst s10  }
0x35: {  	s10 =	sld [smem:$0x3FB7];
	_ =	sdelay $0x3  }
0x36: {  	p1 =	seq.s32 s10, $0x1;
	s10 =	sld [smem:$0x3FB8];
	_ =	sdelay $0x3  }
0x37: {  	[smem:$0x3FB8] =	sst s10  }
0x38: {  	s10 =	sld [smem:$0x3FB9]  }
0x39: {  	_ = 	snop;
	(pc) =	sbr.ind lr, $3  }
0x3a: {  	_ = 	snop  }
0x3b: {  	_ = 	snop  }
0x3c: {  	p2 =	seq.s32 s10, $0x1;
	s10 =	sld [smem:$0x3FB8]  }
0x3d: {  	_ =	shalt  }
0x3e: {  	_ =	shalt  }
0x3f: {  	_ =	shalt  }
0x40: {  	_ =	shalt  }
0x41: {  	_ =	shalt  }
0x42: {  	_ =	shalt  }
0x43: {  	_ =	shalt  }
0x44: {  	_ =	shalt  }
0x45: {  	_ =	shalt  }
0x46: {  	_ =	shalt  }
0x47: {  	_ =	shalt  }
0x48: {  	_ =	shalt  }
0x49: {  	_ =	shalt  }
0x4a: {  	_ =	shalt  }
0x4b: {  	_ =	shalt  }
0x4c: {  	_ =	shalt  }
0x4d: {  	_ =	shalt  }
0x4e: {  	_ =	shalt  }
0x4f: {  	_ =	shalt  }
0x50: {  	_ =	shalt  }
0x51: {  	_ =	shalt  }
0x52: {  	_ =	shalt  }
0x53: {  	_ =	shalt  }
0x54: {  	_ =	shalt  }
0x55: {  	_ =	shalt  }
0x56: {  	_ =	shalt  }
0x57: {  	_ =	shalt  }
0x58: {  	_ =	shalt  }
0x59: {  	_ =	shalt  }
0x5a: {  	_ =	shalt  }
0x5b: {  	_ =	shalt  }
0x5c: {  	_ =	shalt  }
0x5d: {  	_ =	shalt  }
0x5e: {  	_ =	shalt  }
0x5f: {  	_ =	shalt  }
0x60: {  	_ =	shalt  }
0x61: {  	_ =	shalt  }
0x62: {  	_ =	shalt  }
0x63: {  	_ =	shalt  }
0x64: {  	_ =	shalt  }
0x65: {  	_ =	shalt  }
0x66: {  	_ =	shalt  }
0x67: {  	_ =	shalt  }
0x68: {  	_ =	shalt  }
0x69: {  	_ =	shalt  }
0x6a: {  	_ =	shalt  }
0x6b: {  	_ =	shalt  }
0x6c: {  	_ =	shalt  }
0x6d: {  	_ =	shalt  }
0x6e: {  	_ =	shalt  }
0x6f: {  	_ =	shalt  }
0x70: {  	_ =	shalt  }
0x71: {  	_ =	shalt  }
0x72: {  	_ =	shalt  }
0x73: {  	_ =	shalt  }
0x74: {  	_ =	shalt  }
0x75: {  	_ =	shalt  }
0x76: {  	_ =	shalt  }
0x77: {  	_ =	shalt  }
0x78: {  	_ =	shalt  }
0x79: {  	_ =	shalt  }
0x7a: {  	_ =	shalt  }
0x7b: {  	_ =	shalt  }
0x7c: {  	_ =	shalt  }
0x7d: {  	_ =	shalt  }
0x7e: {  	_ =	shalt  }
0x7f: {  	_ =	shalt  }
0x80: {  	_ =	shalt  }
0x81: {  	_ =	shalt  }
0x82: {  	_ =	shalt  }
0x83: {  	_ =	shalt  }
0x84: {  	_ =	shalt  }
0x85: {  	_ =	shalt  }
0x86: {  	_ =	shalt  }
0x87: {  	_ =	shalt  }
.Lfunc_end0:
.L_simem_size_0:
called_computation_lowered:
.L_overlay_start_0:
0x88: {  	s2 =	sld [smem:$0x3FD9]  }
0x89: {  	s3 =	sld [smem:$0x3FFE];
	_ =	sdelay $0x1  }
0x8a: {  	s1 =	srdreg.scid  }
0x8b: {  	s0 =	sand.u32 $0x1, s1  }
0x8c: {  	s17 =	sshll.u32 s0, $0xA;
	s2 =	sadd.s32 s3, s2  }
0x8d: {  	s2 =	sadd.s32 s2, s17  }
0x8e: {  	[smem:$0x3FC4] =	sst s2  }
0x8f: {  	_ = 	snop  }
0x90: {  	s2 =	sld [smem:$0x3FC7];
	(tm) =	ssettm $0x1  }
0x91: {  	s18 =	sld [smem:$0x3FFB];
	_ =	sdelay $0x3  }
0x92: {  	_ =	strace s18  }
0x93: {  	s3 =	sld [smem:$0x3FFC];
	_ =	sdelay $0x3  }
0x94: {  	_ =	strace s3  }
0x95: {  	s3 =	sld [smem:$0x3FFD];
	_ =	sdelay $0x3  }
0x96: {  	_ =	strace s3  }
0x97: {  	_ =	strace $0x8FFFFFFF  }
0x98: {  	s19 =	sld [smem:$0x3FDB];
	_ =	sdelay $0x1  }
0x99: {  	s4 =	simm.s32 $_scs_section_size  }
0x9a: {  	s5 =	simm.s32 $_size__tile_overlayer_lowered;
	s6 =	simm.s32 $_tile_overlayer_lowered  }
0x9b: {  	s22 =	simm.s32 $0x1BFF;
	s21 =	sshll.u32 s6, $0x1;
	s3 =	sadd.s32 s4, s19  }
0x9c: {  	s7 =	simm.s32 $0x0;
	s20 =	sshll.u32 s5, $0x1;
	s5 =	sadd.s32 s21, s3  }
0x9d: {  	[timem:s7], [sflag:s22] =	dma.local [hbm:s5], s20  }
0x9e: {  	_ =	swait.ge [sflag:s22], s20  }
0x9f: {  	s4 =	ssub.s32 $0x0, s20;
	[sflag:s22] =	ssyncset.done $0x0  }
0xa0: {  	[sflag:s22] =	ssyncadd.s32 s4;
	_ =	sdelay $0x1  }
0xa1: {  	s23 =	simm.s32 $0x1B8B  }
0xa2: {  	_ =	swait.ge [sflag:s23], $0x1  }
0xa3: {  	[sflag:s23] =	ssyncset.done $0x0  }
0xa4: {  	s25 =	simm.s32 $0x1B8E;
	s24 =	sld [smem:$0x3FFE];
	[sflag:s23] =	ssyncadd.s32 $0xFFFFFFFF  }
0xa5: {  	s26 =	simm.s32 $execute0_lowered;
	[smem:$0x3FD2] =	sst s25  }
0xa6: {  	s5 =	sshll.u32 s26, $0x1;
	_ =	strace $0x80000046;
	[dreg:$0x1] =	wrdreg $0xFFFFFFFF  }
0xa7: {  	s28 =	simm.s32 $_size_execute0_lowered;
	s3 =	sadd.s32 s3, s5;
	[dreg:$0x0] =	wrdreg $0x0  }
0xa8: {  	s5 =	sshll.u32 s28, $0x1;
	[dreg:$0x2] =	wrdreg s3  }
0xa9: {  	[dreg:$0x3] =	wrdreg s5  }
0xaa: {  	[dreg:$0x4] =	wrdreg $0xC0  }
0xab: {  	_ =	task [dreg:s7], $0x5FFFF  }
0xac: {  	[dreg:$0x1] =	wrdreg $0xFFFFFFFF  }
0xad: {  	[dreg:$0x0] =	wrdreg $0x60  }
0xae: {  	[dreg:$0x2] =	wrdreg s24  }
0xaf: {  	[dreg:$0x3] =	wrdreg s2  }
0xb0: {  	[dreg:$0x4] =	wrdreg $0x9  }
0xb1: {  	_ =	task.clear_ibuf [dreg:s7], $0x5FFFF;
	_ =	strace $0x90000046  }
0xb2: {  	s29 =	simm.s32 $0x9;
	_ =	strace $0x80000048  }
0xb3: {  	_ =	swait.ge [sflag:s29], $0x1  }
0xb4: {  	[sflag:s29] =	ssyncadd.s32 $0xFFFFFFFF  }
0xb5: {  	_ =	strace $0x90000048  }
0xb6: {  	_ =	sfence  }
0xb7: {  	s30 =	sld [smem:$0x0];
	_ =	sdelay $0x2  }
0xb8: {  	s31 =	sshll.u32 s1, $0xD;
	s1 =	sshrl.u32 s1, $0x2  }
0xb9: {  	s3 =	sand.u32 $0x4000, s31;
	s1 =	sadd.s32 s1, s30  }
0xba: {  	s0 =	sor.u32 s3, s0;
	s1 =	sshll.u32 s1, $0x11  }
0xbb: {  	s0 =	sor.u32 s1, s0  }
0xbc: {  	s0 =	sadd.s32 $0x8F2B, s0  }
0xbd: {  	[sflag:s0] =	ssyncadd.remote.s32 $0x1  }
0xbe: {  	_ =	sfence.sel $0xFFFF  }
0xbf: {  	[dreg:$0x0] =	wrdreg $0xFFFFFFFF;
	(pc) =	sbr.abs _section_cstart, $3  }
0xc0: {  	[dreg:$0x1] =	wrdreg $0xFFFFFFFF  }
0xc1: {  	_ =	task.clear_ibuf [dreg:s7], $0x2FFFF;
	_ =	strace $0x9FFFFFFF  }
0xc2: {  	(tm) =	ssettm $0x7FFFFFFF  }
0xc3: {  	_ =	shalt  }
tec
execute0_lowered:
.L_overlay_start_1:
0x0: {  	(tag) =	ssettag $0x1  }
0x1: {  	s0 =	rddreg [dreg:$0x0]  }
0x2: {  	s1 =	rddreg [dreg:$0x1];
	s3 =	simm.s32 $0x0  }
0x3: {  	s2 =	srdreg.scid;
	s7 =	stileid.u32;
	s22 =	simm.s32 $0xF600  }
0x4: {  	s23 =	simm.s32 $0x3;
	s24 =	simm.s32 $0x2800;
	s25 =	simm.s32 $0x5000  }
0x5: {  	s26 =	simm.s32 $0x80;
	s28 =	simm.s32 $0x400;
	s29 =	simm.s32 $0x0  }
0x6: {  	[smem:$0x7FF] =	sst s3;
	s4 =	sadd.s32 $0x2200, s0;
	s2 =	sand.u32 $0x1, s2  }
0x7: {  	s6 =	sshll.u32 s7, $0x1;
	s5 =	sadd.s32 $0x16200, s0;
	s7 =	sshrl.u32 s7, $0x2  }
0x8: {  	_ =	strace $0x80000047;
	s8 =	sor.u32 s2, s6;
	s6 =	sadd.s32 $0x2800, s0  }
0x9: {  	s10 =	smul.u32 $0x14000, s7;
	s7 =	sadd.s32 $0x3D600, s0;
	s2 =	ssub.s32 $0x2, s2  }
0xa: {  	s9 =	sshll.u32 s8, $0x7;
	s8 =	smul.u32 $0x4E20, s8;
	s31 =	sshrl.u32 s2, $0x1  }
0xb: {  	s11 =	sand.u32 $0x380, s9;
	s9 =	sadd.s32 $0x29C00, s0;
	s2 =	ssub.s32 s2, s31  }
0xc: {  	s10 =	sor.u32 s10, s11;
	s14 =	sshrl.u32 s8, $0x3;
	s17 =	smax.u32 s2, $0x1  }
0xd: {  	s10 =	sshrl.u32 s10, $0x3;
	s11 =	sadd.s32 s6, s14;
	s12 =	sadd.s32 s1, s14  }
0xe: {  	s13 =	sadd.s32 s7, s14;
	s0 =	sadd.s32 s10, s0;
	s10 =	sadd.s32 s5, s14  }
0xf: {  	v0 =	vimm.f32 $0.0e+00;
	s14 =	sadd.s32 s9, s14;
	s15 =	sadd.s32 $0x51000, s0;
	s16 =	sadd.s32 $0x5B000, s0  }
.LBB2_1:
0x10: {  	s0 =	simm.s32 $0x7800  }
0x11: {  	[tilespmem:s0], [sflag:$0x1] =	stream.linear.gather [hbm4b:s10+s3], $0xFA0, $0x38;
	[tilespmem:$0x11580] =	vst v63  }
0x12: {  	s21 =	simm.s32 $0x9780  }
0x13: {  	[tilespmem:s21], [sflag:$0x1] =	stream.linear.gather [hbm4b:s11+s3], $0xFA0, $0x38;
	[tilespmem:$0x11580] =	vst v63  }
0x14: {  	s30 =	simm.s32 $0xB700  }
0x15: {  	[tilespmem:s30], [sflag:$0x1] =	stream.linear.gather [hbm4b:s12+s3], $0xFA0, $0x38;
	[tilespmem:$0x11580] =	vst v63  }
0x16: {  	s31 =	simm.s32 $0xD680  }
0x17: {  	[tilespmem:s31], [sflag:$0x1] =	stream.linear.gather [hbm4b:s13+s3], $0xFA0, $0x38;
	[tilespmem:$0x11580] =	vst v63  }
0x18: {  	_ = 	snop  }
0x19: {  	[tilespmem:s22], [sflag:$0x1] =	stream.linear.gather [hbm4b:s14+s3], $0xFA0, $0x38;
	[tilespmem:$0x11580] =	vst v63  }
0x1a: {  	_ = 	snop  }
0x1b: {  	[tilespmem:s3], [sflag:$0x3] =	stream.linear.gather [hbm4b:s4+s3], $0x2800, $0x38;
	[tilespmem:$0x11580] =	vst v63  }
0x1c: {  	_ =	swait.ge [sflag:s23], $0x2800  }
0x1d: {  	[sflag:s23] =	ssyncset.done $0x0  }
0x1e: {  	s0 =	simm.s32 $0x0;
	[sflag:s23] =	ssyncadd.s32 $0xFFFFD800  }
.LBB2_2:
0x1f: {  	p0 =	seq.s32 s0, $0x9FC0  }
.Ltmp0:
0x20: {  	_ = 	snop;
	(pc) =	sbr.rel @!p0 .LBB2_2-.Ltmp0, $4  }
0x21: {  	_ = 	snop  }
0x22: {  	s2 =	sshra.s32 s0, $0x2  }
0x23: {  	[tilespmem:s2+$0x2800] =	vst v0  }
0x24: {  	s0 =	sadd.s32 $0x40, s0;
	[tilespmem:s2+$0x5000] =	vst v0  }
0x25: {  	s30 =	simm.s32 $0x0;
	p0 =	por $0x0, $0x0  }
.LBB2_5:
0x26: {  	s0 =	smov.u32 s30  }
0x27: {  	s30 =	sadd.s32 $0x1, s30;
	p1 =	seq.s32 s0, $0x4  }
0x28: {  	s2 =	smul.u32 @!p1 $0xFA0, s30  }
0x29: {  	s0 =	sand.u32 $0x1, s0  }
0x2a: {  	p3 =	sne.s32 @!p1 s0, $0x0;
	s0 =	sadd.s32 @!p1 s8, s2  }
0x2b: {  	p2 =	por !p3, p1;
	s0 =	sshrl.u32 @!p1 s0, $0x3  }
0x2c: {  	s31 =	simm.s32 @!p2 $0x0;
	s18 =	simm.s32 @!p2 $0x7800;
	s2 =	sadd.s32 @!p1 s5, s0  }
0x2d: {  	[tilespmem:s18], [sflag:$0x1] =	stream.linear.gather @!p2 [hbm4b:s2+s31], $0xFA0, $0x38;
	[tilespmem:$0x11580] =	vst v63  }
0x2e: {  	s19 =	simm.s32 @!p2 $0x9780;
	s18 =	sadd.s32 @!p1 s6, s0  }
0x2f: {  	[tilespmem:s19], [sflag:$0x1] =	stream.linear.gather @!p2 [hbm4b:s18+s31], $0xFA0, $0x38;
	[tilespmem:$0x11580] =	vst v63  }
0x30: {  	s20 =	simm.s32 @!p2 $0xB700;
	s19 =	sadd.s32 @!p1 s1, s0  }
0x31: {  	[tilespmem:s20], [sflag:$0x1] =	stream.linear.gather @!p2 [hbm4b:s19+s31], $0xFA0, $0x38;
	[tilespmem:$0x11580] =	vst v63  }
0x32: {  	s21 =	simm.s32 @!p2 $0xD680;
	s20 =	sadd.s32 @!p1 s7, s0  }
0x33: {  	[tilespmem:s21], [sflag:$0x1] =	stream.linear.gather @!p2 [hbm4b:s20+s31], $0xFA0, $0x38;
	[tilespmem:$0x11580] =	vst v63  }
0x34: {  	p3 =	por p3, p1;
	s0 =	sadd.s32 @!p1 s9, s0;
	s21 =	simm.s32 @!p2 $0xF600  }
0x35: {  	[tilespmem:s21], [sflag:$0x1] =	stream.linear.gather @!p2 [hbm4b:s0+s31], $0xFA0, $0x38;
	[tilespmem:$0x11580] =	vst v63  }
0x36: {  	s21 =	simm.s32 @!p3 $0x0;
	s31 =	simm.s32 @!p3 $0x87A0  }
0x37: {  	[tilespmem:s31], [sflag:$0x2] =	stream.linear.gather @!p3 [hbm4b:s2+s21], $0xFA0, $0x38;
	[tilespmem:$0x11580] =	vst v63  }
0x38: {  	s2 =	simm.s32 @!p3 $0xA720  }
0x39: {  	[tilespmem:s2], [sflag:$0x2] =	stream.linear.gather @!p3 [hbm4b:s18+s21], $0xFA0, $0x38;
	[tilespmem:$0x11580] =	vst v63  }
0x3a: {  	s2 =	simm.s32 @!p3 $0xC6A0  }
0x3b: {  	[tilespmem:s2], [sflag:$0x2] =	stream.linear.gather @!p3 [hbm4b:s19+s21], $0xFA0, $0x38;
	[tilespmem:$0x11580] =	vst v63  }
0x3c: {  	s2 =	simm.s32 @!p3 $0xE620  }
0x3d: {  	[tilespmem:s2], [sflag:$0x2] =	stream.linear.gather @!p3 [hbm4b:s20+s21], $0xFA0, $0x38;
	[tilespmem:$0x11580] =	vst v63  }
0x3e: {  	s2 =	simm.s32 @!p2 $0x2  }
0x3f: {  	s18 =	simm.s32 @!p3 $0x105A0;
	s2 =	simm.s32 @p2 $0x1  }
0x40: {  	[tilespmem:s18], [sflag:$0x2] =	stream.linear.gather @!p3 [hbm4b:s0+s21], $0xFA0, $0x38;
	[tilespmem:$0x11580] =	vst v63  }
0x41: {  	s2 =	simm.s32 @p1 $0x1  }
0x42: {  	_ =	swait.ge [sflag:s2], $0xFA0  }
0x43: {  	[sflag:s2] =	ssyncset.done $0x0  }
0x44: {  	[sflag:s2] =	ssyncadd.s32 $0xFFFFF060  }
0x45: {  	_ =	swait.ge [sflag:s2], $0xFA0  }
0x46: {  	s0 =	simm.s32 $0x1;
	[sflag:s2] =	ssyncset.done $0x0  }
0x47: {  	s0 =	simm.s32 @!p0 $0x0;
	[sflag:s2] =	ssyncadd.s32 $0xFFFFF060  }
0x48: {  	s0 =	smul.u32 $0x3E80, s0;
	_ =	swait.ge [sflag:s2], $0xFA0  }
0x49: {  	[sflag:s2] =	ssyncset.done $0x0  }
0x4a: {  	s18 =	sshrl.u32 s0, $0x2;
	[sflag:s2] =	ssyncadd.s32 $0xFFFFF060  }
0x4b: {  	s0 =	sadd.s32 $0xD6C0, s18;
	_ =	swait.ge [sflag:s2], $0xFA0  }
0x4c: {  	s20 =	sadd.s32 $0xF640, s18;
	v1 =	vmov s0;
	[sflag:s2] =	ssyncset.done $0x0  }
0x4d: {  	s21 =	sadd.s32 $0x7820, s18;
	v2 =	vmov s20;
	[sflag:s2] =	ssyncadd.s32 $0xFFFFF060  }
0x4e: {  	v3 =	vmov s21;
	_ =	swait.ge [sflag:s2], $0xFA0  }
0x4f: {  	[sflag:s2] =	ssyncset.done $0x0  }
0x50: {  	s20 =	simm.s32 $0x0;
	[sflag:s2] =	ssyncadd.s32 $0xFFFFF060  }
0x51: {  	v6 =	vld.idx.msk [tilespmem:v1+s20+$0xFFFFFFC0 ss:$0x1], $0xffff  }
0x52: {  	v7 =	vld.idx.msk [tilespmem:v2+s20+$0xFFFFFFC0 ss:$0x1], $0xffff  }
0x53: {  	s21 =	sadd.s32 $0xB740, s18;
	v8 =	vld.idx.msk [tilespmem:v3+s20+$0xFFFFFFE0 ss:$0x1], $0xffff  }
0x54: {  	s18 =	sadd.s32 $0x97C0, s18;
	v4 =	vmov s21  }
0x55: {  	v5 =	vmov s18  }
0x56: {  	v6 =	vadd.f32 $9.999999970e-07, v6  }
0x57: {  	v7 =	vadd.f32 $9.999999970e-07, v7  }
0x58: {  	(erf) = vrcp.f32 v6  }
0x59: {  	v6 =	vld.idx.msk [tilespmem:v4+s20+$0xFFFFFFC0 ss:$0x1], $0xffff;
	(erf) = vrcp.f32 v7  }
0x5a: {  	v7 =	vld.idx.msk [tilespmem:v5+s20+$0xFFFFFFC0 ss:$0x1], $0xffff  }
0x5b: {  	v9 =	vld.idx.msk [tilespmem:v8+s3+$0x0], $0xffff;
	_ =	sdelay $0x4  }
0x5c: {  	v6 =	vmul.f32 v6, v9;
	vm0 =	vne.s32 v8, v7  }
0x5d: {  	v55 =	vpop (erf)  }
0x5e: {  	v9 =	vmul.f32 v55, v6;
	v10 =	vpop (erf)  }
0x5f: {  	v6 =	vmul.f32 v10, v6  }
0x60: {  	[tilespmem:v8+s24+$0x0] =	vst.idx.add.f32.msk $0xffff, v9  }
0x61: {  	[tilespmem:v8+s25+$0x0] =	vst.idx.add.f32.msk $0xffff, v6  }
0x62: {  	[tilespmem:v7+s24+$0x0] =	vst.idx.add.f32.msk vm0, v9  }
0x63: {  	[tilespmem:v7+s25+$0x0] =	vst.idx.add.f32.msk vm0, v6  }
0x64: {  	v6 =	vld.idx.msk [tilespmem:v1+s20+$0xFFFFFFD0 ss:$0x1], $0xffff  }
0x65: {  	v7 =	vld.idx.msk [tilespmem:v2+s20+$0xFFFFFFD0 ss:$0x1], $0xffff  }
0x66: {  	v8 =	vld.idx.msk [tilespmem:v3+s20+$0xFFFFFFF0 ss:$0x1], $0xffff;
	_ =	sdelay $0x2  }
0x67: {  	v6 =	vadd.f32 $9.999999970e-07, v6  }
0x68: {  	v7 =	vadd.f32 $9.999999970e-07, v7  }
0x69: {  	(erf) = vrcp.f32 v6  }
0x6a: {  	v6 =	vld.idx.msk [tilespmem:v4+s20+$0xFFFFFFD0 ss:$0x1], $0xffff;
	(erf) = vrcp.f32 v7  }
0x6b: {  	v7 =	vld.idx.msk [tilespmem:v5+s20+$0xFFFFFFD0 ss:$0x1], $0xffff  }
0x6c: {  	v9 =	vld.idx.msk [tilespmem:v8+s3+$0x0], $0xffff;
	_ =	sdelay $0x4  }
0x6d: {  	v6 =	vmul.f32 v6, v9;
	vm0 =	vne.s32 v8, v7  }
0x6e: {  	v56 =	vpop (erf)  }
0x6f: {  	v9 =	vmul.f32 v56, v6;
	v57 =	vpop (erf)  }
0x70: {  	v6 =	vmul.f32 v57, v6  }
0x71: {  	[tilespmem:v8+s24+$0x0] =	vst.idx.add.f32.msk $0xffff, v9  }
0x72: {  	[tilespmem:v8+s25+$0x0] =	vst.idx.add.f32.msk $0xffff, v6  }
0x73: {  	[tilespmem:v7+s24+$0x0] =	vst.idx.add.f32.msk vm0, v9  }
0x74: {  	[tilespmem:v7+s25+$0x0] =	vst.idx.add.f32.msk vm0, v6  }
0x75: {  	v6 =	vld.idx.msk [tilespmem:v1+s20+$0xFFFFFFE0 ss:$0x1], $0xffff  }
0x76: {  	v7 =	vld.idx.msk [tilespmem:v2+s20+$0xFFFFFFE0 ss:$0x1], $0xffff  }
0x77: {  	v8 =	vld.idx.msk [tilespmem:v3+s20+$0x0 ss:$0x1], $0xffff;
	_ =	sdelay $0x2  }
0x78: {  	v6 =	vadd.f32 $9.999999970e-07, v6  }
0x79: {  	v7 =	vadd.f32 $9.999999970e-07, v7  }
0x7a: {  	(erf) = vrcp.f32 v6  }
0x7b: {  	v6 =	vld.idx.msk [tilespmem:v4+s20+$0xFFFFFFE0 ss:$0x1], $0xffff;
	(erf) = vrcp.f32 v7  }
0x7c: {  	v7 =	vld.idx.msk [tilespmem:v5+s20+$0xFFFFFFE0 ss:$0x1], $0xffff  }
0x7d: {  	v9 =	vld.idx.msk [tilespmem:v8+s3+$0x0], $0xffff;
	_ =	sdelay $0x4  }
0x7e: {  	v6 =	vmul.f32 v6, v9;
	vm0 =	vne.s32 v8, v7  }
0x7f: {  	v58 =	vpop (erf)  }
0x80: {  	v9 =	vmul.f32 v58, v6;
	v59 =	vpop (erf)  }
0x81: {  	v6 =	vmul.f32 v59, v6  }
0x82: {  	[tilespmem:v8+s24+$0x0] =	vst.idx.add.f32.msk $0xffff, v9  }
0x83: {  	[tilespmem:v8+s25+$0x0] =	vst.idx.add.f32.msk $0xffff, v6  }
0x84: {  	[tilespmem:v7+s24+$0x0] =	vst.idx.add.f32.msk vm0, v9  }
0x85: {  	[tilespmem:v7+s25+$0x0] =	vst.idx.add.f32.msk vm0, v6  }
0x86: {  	v6 =	vld.idx.msk [tilespmem:v1+s20+$0xFFFFFFF0 ss:$0x1], $0xffff  }
0x87: {  	v7 =	vld.idx.msk [tilespmem:v2+s20+$0xFFFFFFF0 ss:$0x1], $0xffff  }
0x88: {  	v8 =	vld.idx.msk [tilespmem:v3+s20+$0x10 ss:$0x1], $0xffff;
	_ =	sdelay $0x2  }
0x89: {  	v6 =	vadd.f32 $9.999999970e-07, v6  }
0x8a: {  	v7 =	vadd.f32 $9.999999970e-07, v7  }
0x8b: {  	(erf) = vrcp.f32 v6  }
0x8c: {  	v6 =	vld.idx.msk [tilespmem:v5+s20+$0xFFFFFFF0 ss:$0x1], $0xffff;
	(erf) = vrcp.f32 v7  }
0x8d: {  	v7 =	vld.idx.msk [tilespmem:v4+s20+$0xFFFFFFF0 ss:$0x1], $0xffff  }
0x8e: {  	v9 =	vld.idx.msk [tilespmem:v8+s3+$0x0], $0xffff;
	_ =	sdelay $0x4  }
0x8f: {  	vm0 =	vne.s32 v8, v6;
	v7 =	vmul.f32 v7, v9  }
0x90: {  	v60 =	vpop (erf)  }
0x91: {  	v9 =	vmul.f32 v60, v7;
	v61 =	vpop (erf)  }
0x92: {  	v7 =	vmul.f32 v61, v7  }
0x93: {  	[tilespmem:v8+s24+$0x0] =	vst.idx.add.f32.msk $0xffff, v9  }
0x94: {  	[tilespmem:v8+s25+$0x0] =	vst.idx.add.f32.msk $0xffff, v7  }
0x95: {  	[tilespmem:v6+s24+$0x0] =	vst.idx.add.f32.msk vm0, v9  }
0x96: {  	[tilespmem:v6+s25+$0x0] =	vst.idx.add.f32.msk vm0, v7  }
0x97: {  	v6 =	vld.idx.msk [tilespmem:v1+s20+$0x0 ss:$0x1], $0xffff  }
0x98: {  	v7 =	vld.idx.msk [tilespmem:v2+s20+$0x0 ss:$0x1], $0xffff  }
0x99: {  	v8 =	vld.idx.msk [tilespmem:v3+s20+$0x20 ss:$0x1], $0xffff;
	_ =	sdelay $0x2  }
0x9a: {  	v6 =	vadd.f32 $9.999999970e-07, v6  }
0x9b: {  	v7 =	vadd.f32 $9.999999970e-07, v7  }
0x9c: {  	(erf) = vrcp.f32 v6  }
0x9d: {  	v6 =	vld.idx.msk [tilespmem:v5+s20+$0x0 ss:$0x1], $0xffff;
	(erf) = vrcp.f32 v7  }
0x9e: {  	v7 =	vld.idx.msk [tilespmem:v4+s20+$0x0 ss:$0x1], $0xffff  }
0x9f: {  	v9 =	vld.idx.msk [tilespmem:v8+s3+$0x0], $0xffff;
	_ =	sdelay $0x4  }
0xa0: {  	vm0 =	vne.s32 v8, v6;
	v7 =	vmul.f32 v7, v9  }
0xa1: {  	v62 =	vpop (erf)  }
0xa2: {  	v9 =	vmul.f32 v62, v7;
	v63 =	vpop (erf)  }
0xa3: {  	v7 =	vmul.f32 v63, v7  }
0xa4: {  	[tilespmem:v8+s24+$0x0] =	vst.idx.add.f32.msk $0xffff, v9  }
0xa5: {  	[tilespmem:v8+s25+$0x0] =	vst.idx.add.f32.msk $0xffff, v7  }
0xa6: {  	s31 =	simm.s32 $0x140;
	s0 =	simm.s32 $0x280;
	[tilespmem:v6+s24+$0x0] =	vst.idx.add.f32.msk vm0, v9  }
.LBB2_6:
0xa7: {  	p1 =	seq.s32 s0, $0x3D40  }
0xa8: {  	s2 =	sshra.s32 s31, $0x2;
	[tilespmem:v6+s25+$0x0] =	vst.idx.add.f32.msk vm0, v7;
	s31 =	smov.u32 s0;
	s0 =	sadd.s32 $0x140, s0  }
0xa9: {  	v6 =	vld.idx.msk [tilespmem:v1+s2+$0xFFFFFFC0 ss:$0x1], $0xffff  }
0xaa: {  	v7 =	vld.idx.msk [tilespmem:v2+s2+$0xFFFFFFC0 ss:$0x1], $0xffff  }
0xab: {  	v8 =	vld.idx.msk [tilespmem:v3+s2+$0xFFFFFFE0 ss:$0x1], $0xffff;
	_ =	sdelay $0x3  }
0xac: {  	v6 =	vadd.f32 $9.999999970e-07, v6  }
0xad: {  	v7 =	vadd.f32 $9.999999970e-07, v7  }
0xae: {  	v9 =	vld.idx.msk [tilespmem:v4+s2+$0xFFFFFFC0 ss:$0x1], $0xffff;
	(erf) = vrcp.f32 v6  }
0xaf: {  	v6 =	vld.idx.msk [tilespmem:v5+s2+$0xFFFFFFC0 ss:$0x1], $0xffff;
	(erf) = vrcp.f32 v7  }
0xb0: {  	v7 =	vld.idx.msk [tilespmem:v8+s3+$0x0], $0xffff;
	_ =	sdelay $0x5  }
0xb1: {  	vm0 =	vne.s32 v8, v6;
	v7 =	vmul.f32 v9, v7  }
0xb2: {  	v9 =	vpop (erf)  }
0xb3: {  	v9 =	vmul.f32 v9, v7;
	v10 =	vpop (erf)  }
0xb4: {  	v7 =	vmul.f32 v10, v7  }
0xb5: {  	[tilespmem:v8+s24+$0x0] =	vst.idx.add.f32.msk $0xffff, v9  }
0xb6: {  	[tilespmem:v8+s25+$0x0] =	vst.idx.add.f32.msk $0xffff, v7  }
0xb7: {  	[tilespmem:v6+s24+$0x0] =	vst.idx.add.f32.msk vm0, v9  }
0xb8: {  	[tilespmem:v6+s25+$0x0] =	vst.idx.add.f32.msk vm0, v7  }
0xb9: {  	v6 =	vld.idx.msk [tilespmem:v1+s2+$0xFFFFFFD0 ss:$0x1], $0xffff  }
0xba: {  	v7 =	vld.idx.msk [tilespmem:v2+s2+$0xFFFFFFD0 ss:$0x1], $0xffff  }
0xbb: {  	v8 =	vld.idx.msk [tilespmem:v3+s2+$0xFFFFFFF0 ss:$0x1], $0xffff;
	_ =	sdelay $0x3  }
0xbc: {  	v6 =	vadd.f32 $9.999999970e-07, v6  }
0xbd: {  	v7 =	vadd.f32 $9.999999970e-07, v7  }
0xbe: {  	v9 =	vld.idx.msk [tilespmem:v4+s2+$0xFFFFFFD0 ss:$0x1], $0xffff;
	(erf) = vrcp.f32 v6  }
0xbf: {  	v6 =	vld.idx.msk [tilespmem:v5+s2+$0xFFFFFFD0 ss:$0x1], $0xffff;
	(erf) = vrcp.f32 v7  }
0xc0: {  	v7 =	vld.idx.msk [tilespmem:v8+s3+$0x0], $0xffff;
	_ =	sdelay $0x5  }
0xc1: {  	vm0 =	vne.s32 v8, v6;
	v7 =	vmul.f32 v9, v7  }
0xc2: {  	v9 =	vpop (erf)  }
0xc3: {  	v9 =	vmul.f32 v9, v7;
	v10 =	vpop (erf)  }
0xc4: {  	v7 =	vmul.f32 v10, v7  }
0xc5: {  	[tilespmem:v8+s24+$0x0] =	vst.idx.add.f32.msk $0xffff, v9  }
0xc6: {  	[tilespmem:v8+s25+$0x0] =	vst.idx.add.f32.msk $0xffff, v7  }
0xc7: {  	[tilespmem:v6+s24+$0x0] =	vst.idx.add.f32.msk vm0, v9  }
0xc8: {  	[tilespmem:v6+s25+$0x0] =	vst.idx.add.f32.msk vm0, v7  }
0xc9: {  	v6 =	vld.idx.msk [tilespmem:v1+s2+$0xFFFFFFE0 ss:$0x1], $0xffff  }
0xca: {  	v7 =	vld.idx.msk [tilespmem:v2+s2+$0xFFFFFFE0 ss:$0x1], $0xffff  }
0xcb: {  	v8 =	vld.idx.msk [tilespmem:v3+s2+$0x0 ss:$0x1], $0xffff;
	_ =	sdelay $0x3  }
0xcc: {  	v6 =	vadd.f32 $9.999999970e-07, v6  }
0xcd: {  	v7 =	vadd.f32 $9.999999970e-07, v7  }
0xce: {  	v9 =	vld.idx.msk [tilespmem:v4+s2+$0xFFFFFFE0 ss:$0x1], $0xffff;
	(erf) = vrcp.f32 v6  }
0xcf: {  	v6 =	vld.idx.msk [tilespmem:v5+s2+$0xFFFFFFE0 ss:$0x1], $0xffff;
	(erf) = vrcp.f32 v7  }
0xd0: {  	v7 =	vld.idx.msk [tilespmem:v8+s3+$0x0], $0xffff;
	_ =	sdelay $0x5  }
0xd1: {  	vm0 =	vne.s32 v8, v6;
	v7 =	vmul.f32 v9, v7  }
0xd2: {  	v9 =	vpop (erf)  }
0xd3: {  	v9 =	vmul.f32 v9, v7;
	v10 =	vpop (erf)  }
0xd4: {  	v7 =	vmul.f32 v10, v7  }
0xd5: {  	[tilespmem:v8+s24+$0x0] =	vst.idx.add.f32.msk $0xffff, v9  }
0xd6: {  	[tilespmem:v8+s25+$0x0] =	vst.idx.add.f32.msk $0xffff, v7  }
0xd7: {  	[tilespmem:v6+s24+$0x0] =	vst.idx.add.f32.msk vm0, v9  }
0xd8: {  	[tilespmem:v6+s25+$0x0] =	vst.idx.add.f32.msk vm0, v7  }
0xd9: {  	v6 =	vld.idx.msk [tilespmem:v1+s2+$0xFFFFFFF0 ss:$0x1], $0xffff  }
0xda: {  	v7 =	vld.idx.msk [tilespmem:v2+s2+$0xFFFFFFF0 ss:$0x1], $0xffff  }
0xdb: {  	v8 =	vld.idx.msk [tilespmem:v3+s2+$0x10 ss:$0x1], $0xffff  }
0xdc: {  	v9 =	vld.idx.msk [tilespmem:v5+s2+$0xFFFFFFF0 ss:$0x1], $0xffff  }
0xdd: {  	v10 =	vld.idx.msk [tilespmem:v4+s2+$0xFFFFFFF0 ss:$0x1], $0xffff;
	_ =	sdelay $0x1  }
0xde: {  	v6 =	vadd.f32 $9.999999970e-07, v6  }
0xdf: {  	v7 =	vadd.f32 $9.999999970e-07, v7  }
0xe0: {  	(erf) = vrcp.f32 v6  }
0xe1: {  	(erf) = vrcp.f32 v7  }
0xe2: {  	v6 =	vld.idx.msk [tilespmem:v8+s3+$0x0], $0xffff;
	_ =	sdelay $0x5  }
0xe3: {  	vm0 =	vne.s32 v8, v9;
	v6 =	vmul.f32 v10, v6  }
0xe4: {  	v7 =	vpop (erf)  }
0xe5: {  	v7 =	vmul.f32 v7, v6;
	v10 =	vpop (erf)  }
0xe6: {  	v6 =	vmul.f32 v10, v6  }
0xe7: {  	[tilespmem:v8+s24+$0x0] =	vst.idx.add.f32.msk $0xffff, v7  }
0xe8: {  	[tilespmem:v8+s25+$0x0] =	vst.idx.add.f32.msk $0xffff, v6  }
0xe9: {  	[tilespmem:v9+s24+$0x0] =	vst.idx.add.f32.msk vm0, v7  }
0xea: {  	[tilespmem:v9+s25+$0x0] =	vst.idx.add.f32.msk vm0, v6  }
0xeb: {  	v7 =	vld.idx.msk [tilespmem:v1+s2+$0x0 ss:$0x1], $0xffff  }
0xec: {  	v8 =	vld.idx.msk [tilespmem:v2+s2+$0x0 ss:$0x1], $0xffff  }
0xed: {  	v9 =	vld.idx.msk [tilespmem:v3+s2+$0x20 ss:$0x1], $0xffff  }
0xee: {  	v6 =	vld.idx.msk [tilespmem:v5+s2+$0x0 ss:$0x1], $0xffff  }
0xef: {  	v10 =	vld.idx.msk [tilespmem:v4+s2+$0x0 ss:$0x1], $0xffff;
	_ =	sdelay $0x1  }
0xf0: {  	v7 =	vadd.f32 $9.999999970e-07, v7  }
0xf1: {  	v8 =	vadd.f32 $9.999999970e-07, v8  }
0xf2: {  	(erf) = vrcp.f32 v7  }
0xf3: {  	(erf) = vrcp.f32 v8  }
0xf4: {  	v7 =	vld.idx.msk [tilespmem:v9+s3+$0x0], $0xffff;
	_ =	sdelay $0x5  }
0xf5: {  	vm0 =	vne.s32 v9, v6;
	v7 =	vmul.f32 v10, v7  }
0xf6: {  	v8 =	vpop (erf)  }
.Ltmp1:
0xf7: {  	v8 =	vmul.f32 v8, v7;
	v10 =	vpop (erf);
	(pc) =	sbr.rel @!p1 .LBB2_6-.Ltmp1, $4  }
0xf8: {  	v7 =	vmul.f32 v10, v7  }
0xf9: {  	[tilespmem:v9+s24+$0x0] =	vst.idx.add.f32.msk $0xffff, v8  }
0xfa: {  	[tilespmem:v9+s25+$0x0] =	vst.idx.add.f32.msk $0xffff, v7  }
0xfb: {  	[tilespmem:v6+s24+$0x0] =	vst.idx.add.f32.msk vm0, v8  }
0xfc: {  	_ =	sdelay $0x4  }
0xfd: {  	s0 =	sshra.s32 s31, $0x2;
	[tilespmem:v6+s25+$0x0] =	vst.idx.add.f32.msk vm0, v7  }
0xfe: {  	v6 =	vld.idx.msk [tilespmem:v1+s0+$0xFFFFFFC0 ss:$0x1], $0xffff  }
0xff: {  	v7 =	vld.idx.msk [tilespmem:v2+s0+$0xFFFFFFC0 ss:$0x1], $0xffff  }
0x100: {  	v8 =	vld.idx.msk [tilespmem:v3+s0+$0xFFFFFFE0 ss:$0x1], $0xffff;
	_ =	sdelay $0x2  }
0x101: {  	v6 =	vadd.f32 $9.999999970e-07, v6  }
0x102: {  	v7 =	vadd.f32 $9.999999970e-07, v7  }
0x103: {  	(erf) = vrcp.f32 v6  }
0x104: {  	v46 =	vld.idx.msk [tilespmem:v4+s0+$0xFFFFFFC0 ss:$0x1], $0xffff;
	(erf) = vrcp.f32 v7  }
0x105: {  	v47 =	vld.idx.msk [tilespmem:v5+s0+$0xFFFFFFC0 ss:$0x1], $0xffff  }
0x106: {  	v9 =	vld.idx.msk [tilespmem:v8+s3+$0x0], $0xffff;
	_ =	sdelay $0x4  }
0x107: {  	vm11 =	vne.s32 v8, v47;
	v6 =	vmul.f32 v46, v9  }
0x108: {  	v48 =	vpop (erf)  }
0x109: {  	v9 =	vmul.f32 v48, v6;
	v10 =	vpop (erf)  }
0x10a: {  	v6 =	vmul.f32 v10, v6  }
0x10b: {  	[tilespmem:v8+s24+$0x0] =	vst.idx.add.f32.msk $0xffff, v9  }
0x10c: {  	[tilespmem:v8+s25+$0x0] =	vst.idx.add.f32.msk $0xffff, v6  }
0x10d: {  	[tilespmem:v47+s24+$0x0] =	vst.idx.add.f32.msk vm11, v9  }
0x10e: {  	[tilespmem:v47+s25+$0x0] =	vst.idx.add.f32.msk vm11, v6  }
0x10f: {  	v6 =	vld.idx.msk [tilespmem:v1+s0+$0xFFFFFFD0 ss:$0x1], $0xffff  }
0x110: {  	v7 =	vld.idx.msk [tilespmem:v2+s0+$0xFFFFFFD0 ss:$0x1], $0xffff  }
0x111: {  	v8 =	vld.idx.msk [tilespmem:v3+s0+$0xFFFFFFF0 ss:$0x1], $0xffff;
	_ =	sdelay $0x2  }
0x112: {  	v6 =	vadd.f32 $9.999999970e-07, v6  }
0x113: {  	v7 =	vadd.f32 $9.999999970e-07, v7  }
0x114: {  	(erf) = vrcp.f32 v6  }
0x115: {  	v49 =	vld.idx.msk [tilespmem:v4+s0+$0xFFFFFFD0 ss:$0x1], $0xffff;
	(erf) = vrcp.f32 v7  }
0x116: {  	v50 =	vld.idx.msk [tilespmem:v5+s0+$0xFFFFFFD0 ss:$0x1], $0xffff  }
0x117: {  	v9 =	vld.idx.msk [tilespmem:v8+s3+$0x0], $0xffff;
	_ =	sdelay $0x4  }
0x118: {  	vm12 =	vne.s32 v8, v50;
	v6 =	vmul.f32 v49, v9  }
0x119: {  	v51 =	vpop (erf)  }
0x11a: {  	v9 =	vmul.f32 v51, v6;
	v52 =	vpop (erf)  }
0x11b: {  	v6 =	vmul.f32 v52, v6  }
0x11c: {  	[tilespmem:v8+s24+$0x0] =	vst.idx.add.f32.msk $0xffff, v9  }
0x11d: {  	[tilespmem:v8+s25+$0x0] =	vst.idx.add.f32.msk $0xffff, v6  }
0x11e: {  	[tilespmem:v50+s24+$0x0] =	vst.idx.add.f32.msk vm12, v9  }
0x11f: {  	[tilespmem:v50+s25+$0x0] =	vst.idx.add.f32.msk vm12, v6  }
0x120: {  	v6 =	vld.idx.msk [tilespmem:v1+s0+$0xFFFFFFE0 ss:$0x1], $0xffff  }
0x121: {  	v7 =	vld.idx.msk [tilespmem:v2+s0+$0xFFFFFFE0 ss:$0x1], $0xffff  }
0x122: {  	v8 =	vld.idx.msk [tilespmem:v3+s0+$0x0 ss:$0x1], $0xffff;
	_ =	sdelay $0x2  }
0x123: {  	v6 =	vadd.f32 $9.999999970e-07, v6  }
0x124: {  	v7 =	vadd.f32 $9.999999970e-07, v7  }
0x125: {  	(erf) = vrcp.f32 v6  }
0x126: {  	v53 =	vld.idx.msk [tilespmem:v4+s0+$0xFFFFFFE0 ss:$0x1], $0xffff;
	(erf) = vrcp.f32 v7  }
0x127: {  	v54 =	vld.idx.msk [tilespmem:v5+s0+$0xFFFFFFE0 ss:$0x1], $0xffff  }
0x128: {  	v9 =	vld.idx.msk [tilespmem:v8+s3+$0x0], $0xffff;
	_ =	sdelay $0x4  }
0x129: {  	vm13 =	vne.s32 v8, v54;
	v6 =	vmul.f32 v53, v9  }
0x12a: {  	v55 =	vpop (erf)  }
0x12b: {  	v9 =	vmul.f32 v55, v6;
	v56 =	vpop (erf)  }
0x12c: {  	v6 =	vmul.f32 v56, v6  }
0x12d: {  	[tilespmem:v8+s24+$0x0] =	vst.idx.add.f32.msk $0xffff, v9  }
0x12e: {  	[tilespmem:v8+s25+$0x0] =	vst.idx.add.f32.msk $0xffff, v6  }
0x12f: {  	[tilespmem:v54+s24+$0x0] =	vst.idx.add.f32.msk vm13, v9  }
0x130: {  	[tilespmem:v54+s25+$0x0] =	vst.idx.add.f32.msk vm13, v6  }
0x131: {  	v6 =	vld.idx.msk [tilespmem:v1+s0+$0xFFFFFFF0 ss:$0x1], $0xffff  }
0x132: {  	v7 =	vld.idx.msk [tilespmem:v2+s0+$0xFFFFFFF0 ss:$0x1], $0xffff  }
0x133: {  	v8 =	vld.idx.msk [tilespmem:v3+s0+$0x10 ss:$0x1], $0xffff;
	_ =	sdelay $0x2  }
0x134: {  	v6 =	vadd.f32 $9.999999970e-07, v6  }
0x135: {  	v7 =	vadd.f32 $9.999999970e-07, v7  }
0x136: {  	(erf) = vrcp.f32 v6  }
0x137: {  	v57 =	vld.idx.msk [tilespmem:v5+s0+$0xFFFFFFF0 ss:$0x1], $0xffff;
	(erf) = vrcp.f32 v7  }
0x138: {  	v58 =	vld.idx.msk [tilespmem:v4+s0+$0xFFFFFFF0 ss:$0x1], $0xffff  }
0x139: {  	v9 =	vld.idx.msk [tilespmem:v8+s3+$0x0], $0xffff;
	_ =	sdelay $0x4  }
0x13a: {  	vm14 =	vne.s32 v8, v57;
	v7 =	vmul.f32 v58, v9  }
0x13b: {  	v59 =	vpop (erf)  }
0x13c: {  	v9 =	vmul.f32 v59, v7;
	v60 =	vpop (erf)  }
0x13d: {  	v7 =	vmul.f32 v60, v7  }
0x13e: {  	[tilespmem:v8+s24+$0x0] =	vst.idx.add.f32.msk $0xffff, v9  }
0x13f: {  	[tilespmem:v8+s25+$0x0] =	vst.idx.add.f32.msk $0xffff, v7  }
0x140: {  	[tilespmem:v57+s24+$0x0] =	vst.idx.add.f32.msk vm14, v9  }
0x141: {  	[tilespmem:v57+s25+$0x0] =	vst.idx.add.f32.msk vm14, v7  }
0x142: {  	v1 =	vld.idx.msk [tilespmem:v1+s0+$0x0 ss:$0x1], $0xffff  }
0x143: {  	v2 =	vld.idx.msk [tilespmem:v2+s0+$0x0 ss:$0x1], $0xffff  }
0x144: {  	v3 =	vld.idx.msk [tilespmem:v3+s0+$0x20 ss:$0x1], $0xffff;
	_ =	sdelay $0x2  }
0x145: {  	v1 =	vadd.f32 $9.999999970e-07, v1  }
0x146: {  	v2 =	vadd.f32 $9.999999970e-07, v2  }
0x147: {  	(erf) = vrcp.f32 v1  }
0x148: {  	v1 =	vld.idx.msk [tilespmem:v5+s0+$0x0 ss:$0x1], $0xffff;
	(erf) = vrcp.f32 v2  }
0x149: {  	v2 =	vld.idx.msk [tilespmem:v4+s0+$0x0 ss:$0x1], $0xffff  }
0x14a: {  	v61 =	vld.idx.msk [tilespmem:v3+s3+$0x0], $0xffff;
	_ =	sdelay $0x4  }
0x14b: {  	vm15 =	vne.s32 v3, v1;
	v2 =	vmul.f32 v2, v61  }
0x14c: {  	v62 =	vpop (erf)  }
0x14d: {  	v4 =	vmul.f32 v62, v2;
	v63 =	vpop (erf)  }
0x14e: {  	v2 =	vmul.f32 v63, v2  }
0x14f: {  	[tilespmem:v3+s24+$0x0] =	vst.idx.add.f32.msk $0xffff, v4  }
0x150: {  	[tilespmem:v3+s25+$0x0] =	vst.idx.add.f32.msk $0xffff, v2  }
0x151: {  	[tilespmem:v1+s24+$0x0] =	vst.idx.add.f32.msk vm15, v4  }
0x152: {  	[tilespmem:v1+s25+$0x0] =	vst.idx.add.f32.msk vm15, v2  }
0x153: {  	p1 =	seq.s32 s30, $0x5  }
.Ltmp2:
0x154: {  	_ = 	snop;
	(pc) =	sbr.rel @!p1 .LBB2_5-.Ltmp2, $2  }
0x155: {  	_ =	sdelay $0x2  }
0x156: {  	p0 =	por !p0, !p0  }
0x157: {  	[hbm4b:s15+s26] =	stream.strided.scatter [tilespmem:s24], [sflag:$0x3], $0x2800, s28, s26, $0x38;
	[tilespmem:$0x11580] =	vst v63  }
0x158: {  	s29 =	sadd.s32 $0x1, s29;
	_ =	swait.ge [sflag:s23], $0x2800  }
0x159: {  	p0 =	sne.s32 s29, s17;
	[sflag:s23] =	ssyncset.done $0x0  }
.Ltmp3:
0x15a: {  	[sflag:s23] =	ssyncadd.s32 $0xFFFFD800;
	(pc) =	sbr.rel @p0 .LBB2_1-.Ltmp3, $4  }
0x15b: {  	[hbm4b:s16+s26] =	stream.strided.scatter [tilespmem:s25], [sflag:$0x3], $0x2800, s28, s26, $0x38;
	[tilespmem:$0x11580] =	vst v63  }
0x15c: {  	_ =	swait.ge [sflag:s23], $0x2800  }
0x15d: {  	[sflag:s23] =	ssyncset.done $0x0  }
0x15e: {  	[sflag:s23] =	ssyncadd.s32 $0xFFFFD800  }
0x15f: {  	_ =	sfence.sel $0x180000  }
0x160: {  	[bflag:$0x0] =	sbarrier.arrive $0xFFFF  }
0x161: {  	_ =	strace $0x90000047  }
0x162: {  	s0 =	stileid.u32;
	[bflag:$0x2] =	sbarrier.arrive $0xFFFF  }
0x163: {  	p0 =	sne.s32 s0, $0x0;
	s0 =	rddreg [dreg:$0x2]  }
0x164: {  	s0 =	sadd.s32 @!p0 $0x100000, s0  }
0x165: {  	[sflag:s0] =	ssyncadd.tile.s32 @!p0 $0x1;
	_ =	shalt  }
.Lfunc_end2:
_tile_overlayer_lowered:
.L_overlay_start_2:
0x166: {  	(tag) =	ssettag $0x2  }
0x167: {  	s0 =	rddreg [dreg:$0x0];
	s2 =	stileid.u32  }
0x168: {  	s1 =	rddreg [dreg:$0x1];
	p0 =	sne.s32 s2, $0x0  }
0x169: {  	s3 =	rddreg [dreg:$0x2];
	[bflag:$0x3] =	sbarrier.arrive $0xFFFF;
	s2 =	simm.s32 @!p0 $0x1C03  }
0x16a: {  	[timem:s3], [sflag:s2] =	dma.local @!p0 [hbm:s0], s1  }
0x16b: {  	s0 =	simm.s32 @!p0 $0x3  }
0x16c: {  	_ =	swait.ge @!p0 [sflag:s0], s1  }
0x16d: {  	s1 =	ssub.s32 @!p0 $0x0, s1;
	[sflag:s0] =	ssyncset.done @!p0 $0x0  }
0x16e: {  	[sflag:s0] =	ssyncadd.s32 @!p0 s1  }
0x16f: {  	[bflag:$0x3] =	sbarrier.arrive $0xFFFF  }
0x170: {  	_ =	shalt  }

</sc_bundles>
